<compile_context>
chip_gen: v7x
topology: tpu7x:2x2x1
jax: 0.10.2.dev20260603
libtpu: 0.0.44.dev20260713+nightly
codegen_flags: <defaults>
</compile_context>

<pallas_src>
import math
import functools

import jax
import jax.numpy as jnp
from jax import lax
from jax.experimental import pallas as pl
from jax.experimental.pallas import tpu as pltpu
from jax.experimental.pallas import tpu_sc as plsc

NEG = -1e30
LN10K = math.log(10000.0)


def _rope_tables(nrows, half):
    pos = jnp.arange(nrows, dtype=jnp.float32)[:, None]
    j = jnp.arange(half, dtype=jnp.float32)[None, :]
    ang = pos * jnp.exp(j * (-LN10K / half))
    cos, sin = jnp.cos(ang), jnp.sin(ang)
    return (jnp.concatenate([cos, cos], axis=-1),
            jnp.concatenate([-sin, sin], axis=-1))


def _rms(x, w, eps=1e-6):
    return x * lax.rsqrt(jnp.mean(x * x, axis=-1, keepdims=True) + eps) * w


def _halfswap(x):
    half = x.shape[-1] // 2
    return jnp.concatenate([x[:, half:], x[:, :half]], axis=-1)


def _rope_fwd(x, cos2, snpm):
    return x * cos2 + _halfswap(x) * snpm


def _rope_inv(x, cos2, snpm):
    return x * cos2 - _halfswap(x) * snpm


def _mmt(a, b):
    return lax.dot_general(a, b, (((1,), (1,)), ((), ())),
                           preferred_element_type=jnp.float32)


def _prep_kernel(A_ref, H_ref, Wc0_ref, Wc1_ref, Wi0_ref, Wi1_ref,
                 Wkv_ref, cb_ref, ib_ref, kw_ref, vw_ref, cos_ref, sin_ref,
                 KI_ref, KV_ref):
    A = A_ref[...]
    KI_ref[...] = (jnp.dot(A[:512], Wi0_ref[...], preferred_element_type=jnp.float32)
                   + jnp.dot(A[1:], Wi1_ref[...], preferred_element_type=jnp.float32)
                   + ib_ref[...])
    kv_comp = (jnp.dot(A[:512], Wc0_ref[...], preferred_element_type=jnp.float32)
               + jnp.dot(A[1:], Wc1_ref[...], preferred_element_type=jnp.float32)
               + cb_ref[...])
    kv_slide = jnp.dot(H_ref[...], Wkv_ref[...], preferred_element_type=jnp.float32)
    kv = jnp.concatenate([kv_comp, kv_slide], axis=0)
    rs = lax.rsqrt(jnp.mean(kv * kv, axis=-1, keepdims=True) + 1e-6)
    cos2 = cos_ref[...]
    snpm = sin_ref[...]
    K = _rope_fwd(kv * rs * kw_ref[...], cos2, snpm)
    V = _rope_fwd(kv * rs * vw_ref[...], cos2, snpm)
    KV_ref[...] = jnp.concatenate([K, V], axis=1)


def _select_kernel(H_ref, KI_ref, Wdq_ref, Wiuq_ref, Ww_ref, idx_ref,
                   *, Tq, Tc):
    i = pl.program_id(0)
    t0 = i * Tq
    Hb = H_ref[...]
    h_dc = jnp.dot(Hb, Wdq_ref[...], preferred_element_type=jnp.float32)
    QI = jnp.dot(h_dc, Wiuq_ref[...], preferred_element_type=jnp.float32)
    WI = jnp.dot(h_dc, Ww_ref[...], preferred_element_type=jnp.float32)
    KI = KI_ref[...]

    I_ts = jnp.zeros((Tq, Tc), jnp.float32)
    for h in range(4):
        d_h = _mmt(QI[:, 32 * h:32 * h + 32], KI)
        I_ts = I_ts + WI[:, h:h + 1] * jnp.maximum(d_h, 0.0)

    row = lax.broadcasted_iota(jnp.int32, (Tq, Tc), 0)
    col = lax.broadcasted_iota(jnp.int32, (Tq, Tc), 1)
    colf = col.astype(jnp.float32)
    valid = (4 * col) <= (row + t0)
    scores = jnp.where(valid, I_ts, NEG)

    for j in range(8):
        m = jnp.max(scores, axis=1, keepdims=True)
        idx = jnp.min(jnp.where(scores == m, colf, float(Tc)),
                      axis=1, keepdims=True)
        scores = jnp.where(colf == idx, -3e30, scores)
        idx_ref[:, j:j + 1] = idx.astype(jnp.int32)


def _attn_kernel(H_ref, KV_ref, KVg_ref, cos_ref, sin_ref,
                 Wq_ref, qw_ref,
                 g0W_ref, g0b_ref, g1W_ref, g1b_ref, oW_ref, ob_ref,
                 out_ref, *, Tq, Tc, n_win):
    i = pl.program_id(0)
    t0 = i * Tq
    Hb = H_ref[...]

    cos_q = cos_ref[...]
    sin_q = sin_ref[...]
    c = KV_ref.shape[1] // 2
    s0 = Tc + t0 - n_win
    KVs = KV_ref[pl.ds(s0, Tq + n_win), :]
    Ks = KVs[:, :c]
    Vs = KVs[:, c:]

    rs = lax.broadcasted_iota(jnp.int32, (Tq, Tq + n_win), 0)
    cs = lax.broadcasted_iota(jnp.int32, (Tq, Tq + n_win), 1)
    band = (cs >= rs + 1) & (cs <= rs + n_win) & (cs + t0 >= n_win)

    scale = 1.0 / math.sqrt(float(c))
    bd_r = lax.broadcasted_iota(jnp.int32, (8 * c, 8), 0)
    bd_c = lax.broadcasted_iota(jnp.int32, (8 * c, 8), 1)
    BD = ((bd_r // c) == bd_c).astype(jnp.float32)
    Kg = [KVg_ref[j][:, :c] for j in range(8)]
    Vg = [KVg_ref[j][:, c:] for j in range(8)]
    Qall = jnp.dot(Hb, Wq_ref[...], preferred_element_type=jnp.float32)
    O_heads = []
    for h in range(4):
        qh = _rms(Qall[:, 64 * h:64 * h + 64], qw_ref[h:h + 1, :])
        qh = _rope_fwd(qh, cos_q, sin_q)
        prods = jnp.concatenate([qh * Kg[j] for j in range(8)], axis=1)
        s_comp = jnp.dot(prods, BD,
                         preferred_element_type=jnp.float32) * scale
        s_sl = jnp.where(band, _mmt(qh, Ks) * scale, NEG)
        mx = jnp.maximum(jnp.max(s_comp, axis=1, keepdims=True),
                         jnp.max(s_sl, axis=1, keepdims=True))
        pc = jnp.exp(s_comp - mx)
        ps = jnp.exp(s_sl - mx)
        den = (jnp.sum(pc, axis=1, keepdims=True)
               + jnp.sum(ps, axis=1, keepdims=True))
        o = jnp.dot(ps, Vs, preferred_element_type=jnp.float32)
        for j in range(8):
            o = o + pc[:, j:j + 1] * Vg[j]
        o = o / den
        O_heads.append(_rope_inv(o, cos_q, sin_q))

    og0 = jnp.concatenate([O_heads[0], O_heads[1]], axis=1)
    og1 = jnp.concatenate([O_heads[2], O_heads[3]], axis=1)
    p0 = jnp.dot(og0, g0W_ref[...], preferred_element_type=jnp.float32) + g0b_ref[...]
    p1 = jnp.dot(og1, g1W_ref[...], preferred_element_type=jnp.float32) + g1b_ref[...]
    p = jnp.concatenate([p0, p1], axis=1)
    out_ref[...] = jnp.dot(p, oW_ref[...], preferred_element_type=jnp.float32) + ob_ref[...]


def _sc_gather(KV, idx_flat, n_rows, row_w):
    info = plsc.get_sparse_core_info()
    nw = info.num_cores * info.num_subcores
    per_w = n_rows // nw
    n_chunks = per_w // 128
    mesh = plsc.VectorSubcoreMesh(core_axis_name="c", subcore_axis_name="s")

    @functools.partial(
        pl.kernel, mesh=mesh,
        out_type=jax.ShapeDtypeStruct((n_rows, row_w), jnp.float32),
        scratch_types=[pltpu.VMEM((per_w,), jnp.int32),
                       pltpu.VMEM((per_w, row_w), jnp.float32),
                       pltpu.SemaphoreType.DMA],
    )
    def gather(KV_hbm, idx_hbm, out_hbm, idx_v, rows_v, sem):
        wid = lax.axis_index("s") * info.num_cores + lax.axis_index("c")
        base = wid * per_w
        pltpu.sync_copy(idx_hbm.at[pl.ds(base, per_w)], idx_v)
        copies = [
            pltpu.async_copy(KV_hbm.at[idx_v.at[pl.ds(128 * j, 128)]],
                             rows_v.at[pl.ds(128 * j, 128), :], sem)
            for j in range(n_chunks)
        ]
        for cp in copies:
            cp.wait()
        pltpu.sync_copy(rows_v, out_hbm.at[pl.ds(base, per_w)])

    return gather(KV, idx_flat)


def kernel(H, comp_W, comp_b, idx_W, idx_b, W_DQ, W_IUQ, W_w, W_Q, W_KV,
           rms_q_w, rms_k_w, rms_v_w, g0_W, g0_b, g1_W, g1_b, out_W, out_b):
    B, T, d = H.shape
    c = rms_k_w.shape[0]
    Tc = T // 4
    n_win = 16
    Tq = 256

    H2 = H[0]
    A = jnp.pad(H2, ((2, 2), (0, 0))).reshape(T // 4 + 1, 4 * d)
    Wc = comp_W.reshape(8 * d, c)
    Wi = idx_W.reshape(8 * d, idx_W.shape[2])

    COS, SIN = _rope_tables(Tc + T, c // 2)
    KI, KV = pl.pallas_call(
        _prep_kernel,
        out_shape=[
            jax.ShapeDtypeStruct((Tc, Wi.shape[1]), jnp.float32),
            jax.ShapeDtypeStruct((Tc + T, 2 * c), jnp.float32),
        ],
    )(A, H2, Wc[:4 * d], Wc[4 * d:], Wi[:4 * d], Wi[4 * d:],
      W_KV, comp_b.reshape(1, c), idx_b.reshape(1, -1),
      rms_k_w.reshape(1, c), rms_v_w.reshape(1, c), COS, SIN)

    nblk = T // Tq
    full = lambda arr: pl.BlockSpec(arr.shape, lambda i: (0,) * arr.ndim)

    idx_qm = pl.pallas_call(
        functools.partial(_select_kernel, Tq=Tq, Tc=Tc),
        grid=(nblk,),
        in_specs=[
            pl.BlockSpec((Tq, d), lambda i: (i, 0)),
            full(KI),
            full(W_DQ), full(W_IUQ), full(W_w),
        ],
        out_specs=pl.BlockSpec((Tq, 8), lambda i: (i, 0)),
        out_shape=jax.ShapeDtypeStruct((T, 8), jnp.int32),
    )(H2, KI, W_DQ, W_IUQ, W_w)

    idx_flat = idx_qm.T.reshape(8 * T)
    KVg = _sc_gather(KV, idx_flat, 8 * T, 2 * c).reshape(8, T, 2 * c)

    out = pl.pallas_call(
        functools.partial(_attn_kernel, Tq=Tq, Tc=Tc, n_win=n_win),
        grid=(nblk,),
        in_specs=[
            pl.BlockSpec((Tq, d), lambda i: (i, 0)),
            full(KV),
            pl.BlockSpec((8, Tq, 2 * c), lambda i: (0, i, 0)),
            pl.BlockSpec((Tq, c), lambda i: (i, 0)),
            pl.BlockSpec((Tq, c), lambda i: (i, 0)),
            full(W_Q), full(rms_q_w),
            full(g0_W), pl.BlockSpec((1, g0_W.shape[1]), lambda i: (0, 0)),
            full(g1_W), pl.BlockSpec((1, g1_W.shape[1]), lambda i: (0, 0)),
            full(out_W), pl.BlockSpec((1, d), lambda i: (0, 0)),
        ],
        out_specs=pl.BlockSpec((Tq, d), lambda i: (i, 0)),
        out_shape=jax.ShapeDtypeStruct((T, d), jnp.float32),
    )(H2, KV, KVg, COS, SIN, W_Q, rms_q_w,
      g0_W, g0_b.reshape(1, -1), g1_W, g1_b.reshape(1, -1),
      out_W, out_b.reshape(1, -1))

    return out[None]

# --- scband reference (transcript-rebuilt; emitter-appended) ---
"""Pipeline reference for scband-compressed-sparse-attention-7791070675036 (READ-ONLY COPY).

The authoritative reference and input builder live on the scoring server;
editing this copy changes nothing except your own understanding.
"""

import math
import jax, jax.numpy as jnp
import numpy as np

NEG = -1e30

def _rms(x, w, eps=1e-6):
    return x * jax.lax.rsqrt(jnp.mean(x * x, axis=-1, keepdims=True) + eps) * w

def _rope(x, negate=False):
    S, D = x.shape[-2], x.shape[-1]
    half = D // 2
    inv_freq = 1.0 / (10000.0 ** (jnp.arange(half, dtype=jnp.float32) / half))
    ang = jnp.arange(S, dtype=jnp.float32)[:, None] * inv_freq[None, :]
    if negate:
        ang = -ang
    cos, sin = jnp.cos(ang), jnp.sin(ang)
    x1, x2 = x[..., :half], x[..., half:]
    return jnp.concatenate([x1 * cos - x2 * sin, x1 * sin + x2 * cos], axis=-1)

def _compress(H, W, b):
    # overlapped token compressor: window 8, stride 4, pad 2 -> T//4 tokens
    out = jax.lax.conv_general_dilated(H, W, window_strides=(4,), padding=[(2, 2)], dimension_numbers=('NWC', 'WIO', 'NWC'))
    return out + b

def setup_inputs(seed: int = 0):
    key = jax.random.key(seed)
    ks = jax.random.split(key, 12)
    d, c, n_h = 256, 64, 4
    B, T = 1, 2048
    s = 0.02
    inp = {}
    inp['H'] = jax.random.normal(ks[0], (B, T, d), dtype=jnp.float32)
    inp['comp_W'] = jax.random.normal(ks[1], (8, d, c), dtype=jnp.float32) * s
    inp['comp_b'] = jnp.zeros((c,), dtype=jnp.float32)
    inp['idx_W'] = jax.random.normal(ks[2], (8, d, 32), dtype=jnp.float32) * s
    inp['idx_b'] = jnp.zeros((32,), dtype=jnp.float32)
    inp['W_DQ'] = jax.random.normal(ks[3], (d, 64), dtype=jnp.float32) * s
    inp['W_IUQ'] = jax.random.normal(ks[4], (64, 4 * 32), dtype=jnp.float32) * s
    inp['W_w'] = jax.random.normal(ks[5], (64, 4), dtype=jnp.float32) * s
    inp['W_Q'] = jax.random.normal(ks[6], (d, n_h * c), dtype=jnp.float32) * s
    inp['W_KV'] = jax.random.normal(ks[7], (d, c), dtype=jnp.float32) * s
    inp['rms_q_w'] = jnp.ones((n_h, c), dtype=jnp.float32)
    inp['rms_k_w'] = jnp.ones((c,), dtype=jnp.float32)
    inp['rms_v_w'] = jnp.ones((c,), dtype=jnp.float32)
    inp['g0_W'] = jax.random.normal(ks[8], (2 * c, 64), dtype=jnp.float32) * s
    inp['g0_b'] = jnp.zeros((64,), dtype=jnp.float32)
    inp['g1_W'] = jax.random.normal(ks[9], (2 * c, 64), dtype=jnp.float32) * s
    inp['g1_b'] = jnp.zeros((64,), dtype=jnp.float32)
    inp['out_W'] = jax.random.normal(ks[10], (128, d), dtype=jnp.float32) * s
    inp['out_b'] = jnp.zeros((d,), dtype=jnp.float32)
    return inp

def reference(H, comp_W, comp_b, idx_W, idx_b, W_DQ, W_IUQ, W_w, W_Q, W_KV, rms_q_w, rms_k_w, rms_v_w, g0_W, g0_b, g1_W, g1_b, out_W, out_b):
    B, T, d = H.shape
    n_h, c = rms_q_w.shape[0], rms_q_w.shape[1]
    n_win = 16
    Tc = T // 4
    H_dc = H @ W_DQ
    Q_I = (H_dc @ W_IUQ).reshape(B, T, 4, 32)
    W_I = (H_dc @ W_w)[..., None]
    K_I = _compress(H, idx_W, idx_b)
    dot = jnp.einsum('bthc,bsc->bths', Q_I, K_I)
    I_ts = (W_I * jax.nn.relu(dot)).sum(axis=2)
    t_ar = jnp.arange(T)
    s_ar = jnp.arange(Tc)
    mask_causal_I = jnp.where(4 * s_ar[None, :] <= t_ar[:, None], 0.0, NEG)
    I_ts_masked = I_ts + mask_causal_I[None]
    k = min(8, Tc)
    _, topk_idx = jax.lax.top_k(I_ts_masked, k)
    bi = jnp.arange(B)[:, None, None]
    ti = t_ar[None, :, None]
    M_comp = jnp.full((B, T, Tc), NEG, dtype=jnp.float32).at[bi, ti, topk_idx].set(0.0)
    KV_comp = _compress(H, comp_W, comp_b)
    KV_sliding = H @ W_KV
    KV = jnp.concatenate([KV_comp, KV_sliding], axis=1)[:, None]
    Q = (H @ W_Q).reshape(B, T, n_h, c).transpose(0, 2, 1, 3)
    Q = _rms(Q, rms_q_w[None, :, None, :])
    K = _rms(KV, rms_k_w)
    V = _rms(KV, rms_v_w)
    Q = _rope(Q, negate=False)
    K = _rope(K, negate=False)
    V = _rope(V, negate=False)
    S = jnp.matmul(Q, jnp.swapaxes(K, -2, -1)) / math.sqrt(c)
    S_comp = S[..., :Tc] + M_comp[:, None]
    M_sliding = jnp.where((t_ar[None, :] <= t_ar[:, None]) & (t_ar[None, :] >= t_ar[:, None] - n_win + 1), 0.0, NEG)
    S_sliding = S[..., Tc:] + M_sliding[None, None]
    P = jax.nn.softmax(jnp.concatenate([S_comp, S_sliding], axis=-1), axis=-1)
    O = jnp.matmul(P, V)
    O = _rope(O, negate=True)
    O_g0 = O[:, :2].transpose(0, 2, 1, 3).reshape(B, T, 2 * c)
    O_g1 = O[:, 2:].transpose(0, 2, 1, 3).reshape(B, T, 2 * c)
    p0 = O_g0 @ g0_W + g0_b
    p1 = O_g1 @ g1_W + g1_b
    return jnp.concatenate([p0, p1], axis=-1) @ out_W + out_b

if __name__ == "__main__":
    import jax
    _d = setup_inputs()
    print(jax.jit(kernel)(*tuple(_d.values())))

</pallas_src>

<mosaic_0001>
#map = affine_map<(d0, d1) -> (0, 0)>
#map1 = affine_map<(d0, d1) -> (0)>
module attributes {stable_mosaic.version = 14 : i64} {
  func.func @gather(%arg0: i32, %arg1: i32, %arg2: memref<2560x128xf32, #tpu.memory_space<hbm>>, %arg3: memref<16384xi32, #tpu.memory_space<hbm>>, %arg4: memref<16384x128xf32, #tpu.memory_space<hbm>>, %arg5: memref<512xi32, #tpu.memory_space<vmem>>, %arg6: memref<512x128xf32, #tpu.memory_space<vmem>>, %arg7: memref<!tpu.dma_semaphore, #tpu.memory_space<semaphore_mem>>) attributes {dimension_semantics = [#tpu.dimension_semantics<core_parallel>, #tpu.dimension_semantics<subcore_parallel>], iteration_bounds = array<i64: 2, 16>, scalar_prefetch = 0 : i64, scratch_operands = 3 : i64, tpu.core_type = #tpu.core_type<sc_vector_subcore>, window_params = [{transform_indices = #map}, {transform_indices = #map1}, {transform_indices = #map}]} {
    %mul3A = arith.constant 2 : i32
    %mul3A_0 = arith.muli %arg1, %mul3A : i32
    %add3A = arith.addi %mul3A_0, %arg0 : i32
    %mul3A_1 = arith.constant 512 : i32
    %mul3A_2 = arith.muli %add3A, %mul3A_1 : i32
    "tpu.region"() ({
      %run_scoped3A = tpu.sem_alloc : memref<!tpu.dma_semaphore, #tpu.memory_space<semaphore_mem>>
      %dma_start3A_65 = tpu.memref_slice %arg3[%mul3A_2] : memref<16384xi32, #tpu.memory_space<hbm>> -> memref<512xi32, #tpu.memory_space<hbm>>
      %dma_start3A_66 = tpu.memref_slice %arg3[%mul3A_2] : memref<16384xi32, #tpu.memory_space<hbm>> -> memref<512xi32, #tpu.memory_space<hbm>>
      tpu.enqueue_dma source(%dma_start3A_66 : memref<512xi32, #tpu.memory_space<hbm>>) target(%arg5 : memref<512xi32, #tpu.memory_space<vmem>>) target_semaphore(%run_scoped3A : memref<!tpu.dma_semaphore, #tpu.memory_space<semaphore_mem>>)
      %dma_wait3A_67 = tpu.memref_slice %arg3[%mul3A_2] : memref<16384xi32, #tpu.memory_space<hbm>> -> memref<512xi32, #tpu.memory_space<hbm>>
      %dma_wait3A_68 = tpu.memref_slice %arg3[%mul3A_2] : memref<16384xi32, #tpu.memory_space<hbm>> -> memref<512xi32, #tpu.memory_space<hbm>>
      tpu.wait_dma2 semaphore(%run_scoped3A : memref<!tpu.dma_semaphore, #tpu.memory_space<semaphore_mem>>) src(%dma_wait3A_68 : memref<512xi32, #tpu.memory_space<hbm>>) dst(%arg5 : memref<512xi32, #tpu.memory_space<vmem>>)
      tpu.yield
    }) : () -> ()
    %dma_start3A = arith.constant 0 : i32
    %dma_start3A_3 = arith.constant 0 : i32
    %dma_start3A_4 = tpu.memref_slice %arg6[%dma_start3A, %dma_start3A_3] : memref<512x128xf32, #tpu.memory_space<vmem>> -> memref<128x128xf32, #tpu.memory_space<vmem>>
    %dma_start3A_5 = arith.constant 0 : i32
    %dma_start3A_6 = tpu.memref_slice %arg5[%dma_start3A_5] : memref<512xi32, #tpu.memory_space<vmem>> -> memref<128xi32, #tpu.memory_space<vmem>>
    %dma_start3A_7 = arith.constant 0 : i32
    %dma_start3A_8 = arith.constant 0 : i32
    %dma_start3A_9 = tpu.memref_slice %arg2[%dma_start3A_7, %dma_start3A_8] : memref<2560x128xf32, #tpu.memory_space<hbm>> -> memref<2560x128xf32, #tpu.memory_space<hbm>>
    tpu.enqueue_indirect_dma source(%dma_start3A_9 : memref<2560x128xf32, #tpu.memory_space<hbm>>) target(%dma_start3A_4 : memref<128x128xf32, #tpu.memory_space<vmem>>) offsets(%dma_start3A_6 : memref<128xi32, #tpu.memory_space<vmem>>) semaphore(%arg7 : memref<!tpu.dma_semaphore, #tpu.memory_space<semaphore_mem>>)
    %dma_start3A_10 = arith.constant 128 : i32
    %dma_start3A_11 = arith.constant 0 : i32
    %dma_start3A_12 = tpu.memref_slice %arg6[%dma_start3A_10, %dma_start3A_11] : memref<512x128xf32, #tpu.memory_space<vmem>> -> memref<128x128xf32, #tpu.memory_space<vmem>>
    %dma_start3A_13 = arith.constant 128 : i32
    %dma_start3A_14 = tpu.memref_slice %arg5[%dma_start3A_13] : memref<512xi32, #tpu.memory_space<vmem>> -> memref<128xi32, #tpu.memory_space<vmem>>
    %dma_start3A_15 = arith.constant 0 : i32
    %dma_start3A_16 = arith.constant 0 : i32
    %dma_start3A_17 = tpu.memref_slice %arg2[%dma_start3A_15, %dma_start3A_16] : memref<2560x128xf32, #tpu.memory_space<hbm>> -> memref<2560x128xf32, #tpu.memory_space<hbm>>
    tpu.enqueue_indirect_dma source(%dma_start3A_17 : memref<2560x128xf32, #tpu.memory_space<hbm>>) target(%dma_start3A_12 : memref<128x128xf32, #tpu.memory_space<vmem>>) offsets(%dma_start3A_14 : memref<128xi32, #tpu.memory_space<vmem>>) semaphore(%arg7 : memref<!tpu.dma_semaphore, #tpu.memory_space<semaphore_mem>>)
    %dma_start3A_18 = arith.constant 256 : i32
    %dma_start3A_19 = arith.constant 0 : i32
    %dma_start3A_20 = tpu.memref_slice %arg6[%dma_start3A_18, %dma_start3A_19] : memref<512x128xf32, #tpu.memory_space<vmem>> -> memref<128x128xf32, #tpu.memory_space<vmem>>
    %dma_start3A_21 = arith.constant 256 : i32
    %dma_start3A_22 = tpu.memref_slice %arg5[%dma_start3A_21] : memref<512xi32, #tpu.memory_space<vmem>> -> memref<128xi32, #tpu.memory_space<vmem>>
    %dma_start3A_23 = arith.constant 0 : i32
    %dma_start3A_24 = arith.constant 0 : i32
    %dma_start3A_25 = tpu.memref_slice %arg2[%dma_start3A_23, %dma_start3A_24] : memref<2560x128xf32, #tpu.memory_space<hbm>> -> memref<2560x128xf32, #tpu.memory_space<hbm>>
    tpu.enqueue_indirect_dma source(%dma_start3A_25 : memref<2560x128xf32, #tpu.memory_space<hbm>>) target(%dma_start3A_20 : memref<128x128xf32, #tpu.memory_space<vmem>>) offsets(%dma_start3A_22 : memref<128xi32, #tpu.memory_space<vmem>>) semaphore(%arg7 : memref<!tpu.dma_semaphore, #tpu.memory_space<semaphore_mem>>)
    %dma_start3A_26 = arith.constant 384 : i32
    %dma_start3A_27 = arith.constant 0 : i32
    %dma_start3A_28 = tpu.memref_slice %arg6[%dma_start3A_26, %dma_start3A_27] : memref<512x128xf32, #tpu.memory_space<vmem>> -> memref<128x128xf32, #tpu.memory_space<vmem>>
    %dma_start3A_29 = arith.constant 384 : i32
    %dma_start3A_30 = tpu.memref_slice %arg5[%dma_start3A_29] : memref<512xi32, #tpu.memory_space<vmem>> -> memref<128xi32, #tpu.memory_space<vmem>>
    %dma_start3A_31 = arith.constant 0 : i32
    %dma_start3A_32 = arith.constant 0 : i32
    %dma_start3A_33 = tpu.memref_slice %arg2[%dma_start3A_31, %dma_start3A_32] : memref<2560x128xf32, #tpu.memory_space<hbm>> -> memref<2560x128xf32, #tpu.memory_space<hbm>>
    tpu.enqueue_indirect_dma source(%dma_start3A_33 : memref<2560x128xf32, #tpu.memory_space<hbm>>) target(%dma_start3A_28 : memref<128x128xf32, #tpu.memory_space<vmem>>) offsets(%dma_start3A_30 : memref<128xi32, #tpu.memory_space<vmem>>) semaphore(%arg7 : memref<!tpu.dma_semaphore, #tpu.memory_space<semaphore_mem>>)
    %dma_wait3A = arith.constant 0 : i32
    %dma_wait3A_34 = arith.constant 0 : i32
    %dma_wait3A_35 = tpu.memref_slice %arg6[%dma_wait3A, %dma_wait3A_34] : memref<512x128xf32, #tpu.memory_space<vmem>> -> memref<128x128xf32, #tpu.memory_space<vmem>>
    %dma_wait3A_36 = arith.constant 0 : i32
    %dma_wait3A_37 = tpu.memref_slice %arg5[%dma_wait3A_36] : memref<512xi32, #tpu.memory_space<vmem>> -> memref<128xi32, #tpu.memory_space<vmem>>
    %dma_wait3A_38 = arith.constant 0 : i32
    %dma_wait3A_39 = arith.constant 0 : i32
    %dma_wait3A_40 = tpu.memref_slice %arg2[%dma_wait3A_38, %dma_wait3A_39] : memref<2560x128xf32, #tpu.memory_space<hbm>> -> memref<2560x128xf32, #tpu.memory_space<hbm>>
    tpu.wait_indirect_dma semaphore(%arg7 : memref<!tpu.dma_semaphore, #tpu.memory_space<semaphore_mem>>) src(%dma_wait3A_40 : memref<2560x128xf32, #tpu.memory_space<hbm>>) dst(%dma_wait3A_35 : memref<128x128xf32, #tpu.memory_space<vmem>>)
    %dma_wait3A_41 = arith.constant 128 : i32
    %dma_wait3A_42 = arith.constant 0 : i32
    %dma_wait3A_43 = tpu.memref_slice %arg6[%dma_wait3A_41, %dma_wait3A_42] : memref<512x128xf32, #tpu.memory_space<vmem>> -> memref<128x128xf32, #tpu.memory_space<vmem>>
    %dma_wait3A_44 = arith.constant 128 : i32
    %dma_wait3A_45 = tpu.memref_slice %arg5[%dma_wait3A_44] : memref<512xi32, #tpu.memory_space<vmem>> -> memref<128xi32, #tpu.memory_space<vmem>>
    %dma_wait3A_46 = arith.constant 0 : i32
    %dma_wait3A_47 = arith.constant 0 : i32
    %dma_wait3A_48 = tpu.memref_slice %arg2[%dma_wait3A_46, %dma_wait3A_47] : memref<2560x128xf32, #tpu.memory_space<hbm>> -> memref<2560x128xf32, #tpu.memory_space<hbm>>
    tpu.wait_indirect_dma semaphore(%arg7 : memref<!tpu.dma_semaphore, #tpu.memory_space<semaphore_mem>>) src(%dma_wait3A_48 : memref<2560x128xf32, #tpu.memory_space<hbm>>) dst(%dma_wait3A_43 : memref<128x128xf32, #tpu.memory_space<vmem>>)
    %dma_wait3A_49 = arith.constant 256 : i32
    %dma_wait3A_50 = arith.constant 0 : i32
    %dma_wait3A_51 = tpu.memref_slice %arg6[%dma_wait3A_49, %dma_wait3A_50] : memref<512x128xf32, #tpu.memory_space<vmem>> -> memref<128x128xf32, #tpu.memory_space<vmem>>
    %dma_wait3A_52 = arith.constant 256 : i32
    %dma_wait3A_53 = tpu.memref_slice %arg5[%dma_wait3A_52] : memref<512xi32, #tpu.memory_space<vmem>> -> memref<128xi32, #tpu.memory_space<vmem>>
    %dma_wait3A_54 = arith.constant 0 : i32
    %dma_wait3A_55 = arith.constant 0 : i32
    %dma_wait3A_56 = tpu.memref_slice %arg2[%dma_wait3A_54, %dma_wait3A_55] : memref<2560x128xf32, #tpu.memory_space<hbm>> -> memref<2560x128xf32, #tpu.memory_space<hbm>>
    tpu.wait_indirect_dma semaphore(%arg7 : memref<!tpu.dma_semaphore, #tpu.memory_space<semaphore_mem>>) src(%dma_wait3A_56 : memref<2560x128xf32, #tpu.memory_space<hbm>>) dst(%dma_wait3A_51 : memref<128x128xf32, #tpu.memory_space<vmem>>)
    %dma_wait3A_57 = arith.constant 384 : i32
    %dma_wait3A_58 = arith.constant 0 : i32
    %dma_wait3A_59 = tpu.memref_slice %arg6[%dma_wait3A_57, %dma_wait3A_58] : memref<512x128xf32, #tpu.memory_space<vmem>> -> memref<128x128xf32, #tpu.memory_space<vmem>>
    %dma_wait3A_60 = arith.constant 384 : i32
    %dma_wait3A_61 = tpu.memref_slice %arg5[%dma_wait3A_60] : memref<512xi32, #tpu.memory_space<vmem>> -> memref<128xi32, #tpu.memory_space<vmem>>
    %dma_wait3A_62 = arith.constant 0 : i32
    %dma_wait3A_63 = arith.constant 0 : i32
    %dma_wait3A_64 = tpu.memref_slice %arg2[%dma_wait3A_62, %dma_wait3A_63] : memref<2560x128xf32, #tpu.memory_space<hbm>> -> memref<2560x128xf32, #tpu.memory_space<hbm>>
    tpu.wait_indirect_dma semaphore(%arg7 : memref<!tpu.dma_semaphore, #tpu.memory_space<semaphore_mem>>) src(%dma_wait3A_64 : memref<2560x128xf32, #tpu.memory_space<hbm>>) dst(%dma_wait3A_59 : memref<128x128xf32, #tpu.memory_space<vmem>>)
    "tpu.region"() ({
      %run_scoped3A = tpu.sem_alloc : memref<!tpu.dma_semaphore, #tpu.memory_space<semaphore_mem>>
      %dma_start3A_65 = arith.constant 0 : i32
      %dma_start3A_66 = tpu.memref_slice %arg4[%mul3A_2, %dma_start3A_65] : memref<16384x128xf32, #tpu.memory_space<hbm>> -> memref<512x128xf32, #tpu.memory_space<hbm>>
      %dma_start3A_67 = arith.constant 0 : i32
      %dma_start3A_68 = tpu.memref_slice %arg4[%mul3A_2, %dma_start3A_67] : memref<16384x128xf32, #tpu.memory_space<hbm>> -> memref<512x128xf32, #tpu.memory_space<hbm>>
      tpu.enqueue_dma source(%arg6 : memref<512x128xf32, #tpu.memory_space<vmem>>) target(%dma_start3A_68 : memref<512x128xf32, #tpu.memory_space<hbm>>) target_semaphore(%run_scoped3A : memref<!tpu.dma_semaphore, #tpu.memory_space<semaphore_mem>>)
      %dma_wait3A_69 = arith.constant 0 : i32
      %dma_wait3A_70 = tpu.memref_slice %arg4[%mul3A_2, %dma_wait3A_69] : memref<16384x128xf32, #tpu.memory_space<hbm>> -> memref<512x128xf32, #tpu.memory_space<hbm>>
      %dma_wait3A_71 = arith.constant 0 : i32
      %dma_wait3A_72 = tpu.memref_slice %arg4[%mul3A_2, %dma_wait3A_71] : memref<16384x128xf32, #tpu.memory_space<hbm>> -> memref<512x128xf32, #tpu.memory_space<hbm>>
      tpu.wait_dma2 semaphore(%run_scoped3A : memref<!tpu.dma_semaphore, #tpu.memory_space<semaphore_mem>>) src(%arg6 : memref<512x128xf32, #tpu.memory_space<vmem>>) dst(%dma_wait3A_72 : memref<512x128xf32, #tpu.memory_space<hbm>>)
      tpu.yield
    }) : () -> ()
    return
  }
}

module attributes {stable_mosaic.version = 14 : i64} {
  func.func @_prep_kernel(%arg0: memref<513x1024xf32, #tpu.memory_space<vmem>>, %arg1: memref<2048x256xf32, #tpu.memory_space<vmem>>, %arg2: memref<1024x64xf32, #tpu.memory_space<vmem>>, %arg3: memref<1024x64xf32, #tpu.memory_space<vmem>>, %arg4: memref<1024x32xf32, #tpu.memory_space<vmem>>, %arg5: memref<1024x32xf32, #tpu.memory_space<vmem>>, %arg6: memref<256x64xf32, #tpu.memory_space<vmem>>, %arg7: memref<1x64xf32, #tpu.memory_space<vmem>>, %arg8: memref<1x32xf32, #tpu.memory_space<vmem>>, %arg9: memref<1x64xf32, #tpu.memory_space<vmem>>, %arg10: memref<1x64xf32, #tpu.memory_space<vmem>>, %arg11: memref<2560x64xf32, #tpu.memory_space<vmem>>, %arg12: memref<2560x64xf32, #tpu.memory_space<vmem>>, %arg13: memref<512x32xf32, #tpu.memory_space<vmem>>, %arg14: memref<2560x128xf32, #tpu.memory_space<vmem>>) attributes {dimension_semantics = [], scalar_prefetch = 0 : i64, scratch_operands = 0 : i64, tpu.core_type = #tpu.core_type<tc>} {
    %get3A = arith.constant 0 : index
    %get3A_0 = arith.constant 0 : index
    %get3A_1 = vector.load %arg0[%get3A, %get3A_0] : memref<513x1024xf32, #tpu.memory_space<vmem>>, vector<513x1024xf32>
    %slice3A = vector.extract_strided_slice %get3A_1 {offsets = [0, 0], sizes = [512, 1024], strides = [1, 1]} : vector<513x1024xf32> to vector<512x1024xf32>
    %get3A_2 = arith.constant 0 : index
    %get3A_3 = arith.constant 0 : index
    %get3A_4 = vector.load %arg4[%get3A_2, %get3A_3] : memref<1024x32xf32, #tpu.memory_space<vmem>>, vector<1024x32xf32>
    %dot_general3A = arith.constant dense<0.000000e+00> : vector<512x32xf32>
    %dot_general3A_5 = tpu.matmul %slice3A, %get3A_4, %dot_general3A {dimension_numbers = #tpu.dot_dimension_numbers<[1], [0], [0], [1], [0, 0, 1, 1], [], []>, transpose_lhs_hint = false} : vector<512x1024xf32>, vector<1024x32xf32>, vector<512x32xf32> -> vector<512x32xf32>
    %slice3A_6 = vector.extract_strided_slice %get3A_1 {offsets = [1, 0], sizes = [512, 1024], strides = [1, 1]} : vector<513x1024xf32> to vector<512x1024xf32>
    %get3A_7 = arith.constant 0 : index
    %get3A_8 = arith.constant 0 : index
    %get3A_9 = vector.load %arg5[%get3A_7, %get3A_8] : memref<1024x32xf32, #tpu.memory_space<vmem>>, vector<1024x32xf32>
    %dot_general3A_10 = arith.constant dense<0.000000e+00> : vector<512x32xf32>
    %dot_general3A_11 = tpu.matmul %slice3A_6, %get3A_9, %dot_general3A_10 {dimension_numbers = #tpu.dot_dimension_numbers<[1], [0], [0], [1], [0, 0, 1, 1], [], []>, transpose_lhs_hint = false} : vector<512x1024xf32>, vector<1024x32xf32>, vector<512x32xf32> -> vector<512x32xf32>
    %add3A = arith.addf %dot_general3A_5, %dot_general3A_11 : vector<512x32xf32>
    %get3A_12 = arith.constant 0 : index
    %get3A_13 = arith.constant 0 : index
    %get3A_14 = vector.load %arg8[%get3A_12, %get3A_13] : memref<1x32xf32, #tpu.memory_space<vmem>>, vector<1x32xf32>
    %add3A_15 = vector.broadcast %get3A_14 : vector<1x32xf32> to vector<512x32xf32>
    %add3A_16 = arith.addf %add3A, %add3A_15 : vector<512x32xf32>
    %swap3A = arith.constant 0 : index
    %swap3A_17 = arith.constant 0 : index
    %swap3A_18 = vector.load %arg13[%swap3A, %swap3A_17] : memref<512x32xf32, #tpu.memory_space<vmem>>, vector<512x32xf32>
    tpu.vector_store %arg13[%swap3A, %swap3A_17], %add3A_16 {strides = array<i32>} : memref<512x32xf32, #tpu.memory_space<vmem>>, vector<512x32xf32>,
    %slice3A_19 = vector.extract_strided_slice %get3A_1 {offsets = [0, 0], sizes = [512, 1024], strides = [1, 1]} : vector<513x1024xf32> to vector<512x1024xf32>
    %get3A_20 = arith.constant 0 : index
    %get3A_21 = arith.constant 0 : index
    %get3A_22 = vector.load %arg2[%get3A_20, %get3A_21] : memref<1024x64xf32, #tpu.memory_space<vmem>>, vector<1024x64xf32>
    %dot_general3A_23 = arith.constant dense<0.000000e+00> : vector<512x64xf32>
    %dot_general3A_24 = tpu.matmul %slice3A_19, %get3A_22, %dot_general3A_23 {dimension_numbers = #tpu.dot_dimension_numbers<[1], [0], [0], [1], [0, 0, 1, 1], [], []>, transpose_lhs_hint = false} : vector<512x1024xf32>, vector<1024x64xf32>, vector<512x64xf32> -> vector<512x64xf32>
    %slice3A_25 = vector.extract_strided_slice %get3A_1 {offsets = [1, 0], sizes = [512, 1024], strides = [1, 1]} : vector<513x1024xf32> to vector<512x1024xf32>
    %get3A_26 = arith.constant 0 : index
    %get3A_27 = arith.constant 0 : index
    %get3A_28 = vector.load %arg3[%get3A_26, %get3A_27] : memref<1024x64xf32, #tpu.memory_space<vmem>>, vector<1024x64xf32>
    %dot_general3A_29 = arith.constant dense<0.000000e+00> : vector<512x64xf32>
    %dot_general3A_30 = tpu.matmul %slice3A_25, %get3A_28, %dot_general3A_29 {dimension_numbers = #tpu.dot_dimension_numbers<[1], [0], [0], [1], [0, 0, 1, 1], [], []>, transpose_lhs_hint = false} : vector<512x1024xf32>, vector<1024x64xf32>, vector<512x64xf32> -> vector<512x64xf32>
    %add3A_31 = arith.addf %dot_general3A_24, %dot_general3A_30 : vector<512x64xf32>
    %get3A_32 = arith.constant 0 : index
    %get3A_33 = arith.constant 0 : index
    %get3A_34 = vector.load %arg7[%get3A_32, %get3A_33] : memref<1x64xf32, #tpu.memory_space<vmem>>, vector<1x64xf32>
    %add3A_35 = vector.broadcast %get3A_34 : vector<1x64xf32> to vector<512x64xf32>
    %add3A_36 = arith.addf %add3A_31, %add3A_35 : vector<512x64xf32>
    %get3A_37 = arith.constant 0 : index
    %get3A_38 = arith.constant 0 : index
    %get3A_39 = vector.load %arg1[%get3A_37, %get3A_38] : memref<2048x256xf32, #tpu.memory_space<vmem>>, vector<2048x256xf32>
    %get3A_40 = arith.constant 0 : index
    %get3A_41 = arith.constant 0 : index
    %get3A_42 = vector.load %arg6[%get3A_40, %get3A_41] : memref<256x64xf32, #tpu.memory_space<vmem>>, vector<256x64xf32>
    %dot_general3A_43 = arith.constant dense<0.000000e+00> : vector<2048x64xf32>
    %dot_general3A_44 = tpu.matmul %get3A_39, %get3A_42, %dot_general3A_43 {dimension_numbers = #tpu.dot_dimension_numbers<[1], [0], [0], [1], [0, 0, 1, 1], [], []>, transpose_lhs_hint = false} : vector<2048x256xf32>, vector<256x64xf32>, vector<2048x64xf32> -> vector<2048x64xf32>
    %concatenate3A = tpu.concatenate %add3A_36, %dot_general3A_44 in 0 : vector<512x64xf32>, vector<2048x64xf32> -> vector<2560x64xf32>
    %mul3A = arith.mulf %concatenate3A, %concatenate3A : vector<2560x64xf32>
    %reduce_sum3A = arith.constant dense<0.000000e+00> : vector<2560xf32>
    %reduce_sum3A_45 = vector.multi_reduction <add>, %mul3A, %reduce_sum3A [1] : vector<2560x64xf32> to vector<2560xf32>
    %broadcast_in_dim3A = vector.shape_cast %reduce_sum3A_45 : vector<2560xf32> to vector<2560x1xf32>
    %div3A = arith.constant 6.400000e+01 : f32
    %div3A_46 = vector.broadcast %div3A : f32 to vector<2560x1xf32>
    %div3A_47 = arith.divf %broadcast_in_dim3A, %div3A_46 : vector<2560x1xf32>
    %add3A_48 = arith.constant 9.99999997E-7 : f32
    %add3A_49 = vector.broadcast %add3A_48 : f32 to vector<2560x1xf32>
    %add3A_50 = arith.addf %div3A_47, %add3A_49 : vector<2560x1xf32>
    %rsqrt3A = math.rsqrt %add3A_50 : vector<2560x1xf32>
    %get3A_51 = arith.constant 0 : index
    %get3A_52 = arith.constant 0 : index
    %get3A_53 = vector.load %arg11[%get3A_51, %get3A_52] : memref<2560x64xf32, #tpu.memory_space<vmem>>, vector<2560x64xf32>
    %get3A_54 = arith.constant 0 : index
    %get3A_55 = arith.constant 0 : index
    %get3A_56 = vector.load %arg12[%get3A_54, %get3A_55] : memref<2560x64xf32, #tpu.memory_space<vmem>>, vector<2560x64xf32>
    %mul3A_57 = vector.broadcast %rsqrt3A : vector<2560x1xf32> to vector<2560x64xf32>
    %mul3A_58 = arith.mulf %concatenate3A, %mul3A_57 : vector<2560x64xf32>
    %get3A_59 = arith.constant 0 : index
    %get3A_60 = arith.constant 0 : index
    %get3A_61 = vector.load %arg9[%get3A_59, %get3A_60] : memref<1x64xf32, #tpu.memory_space<vmem>>, vector<1x64xf32>
    %mul3A_62 = vector.broadcast %get3A_61 : vector<1x64xf32> to vector<2560x64xf32>
    %mul3A_63 = arith.mulf %mul3A_58, %mul3A_62 : vector<2560x64xf32>
    %mul3A_64 = arith.mulf %mul3A_63, %get3A_53 : vector<2560x64xf32>
    %slice3A_65 = vector.extract_strided_slice %mul3A_63 {offsets = [0, 32], sizes = [2560, 32], strides = [1, 1]} : vector<2560x64xf32> to vector<2560x32xf32>
    %slice3A_66 = vector.extract_strided_slice %mul3A_63 {offsets = [0, 0], sizes = [2560, 32], strides = [1, 1]} : vector<2560x64xf32> to vector<2560x32xf32>
    %concatenate3A_67 = tpu.concatenate %slice3A_65, %slice3A_66 in 1 : vector<2560x32xf32>, vector<2560x32xf32> -> vector<2560x64xf32>
    %mul3A_68 = arith.mulf %concatenate3A_67, %get3A_56 : vector<2560x64xf32>
    %add3A_69 = arith.addf %mul3A_64, %mul3A_68 : vector<2560x64xf32>
    %mul3A_70 = vector.broadcast %rsqrt3A : vector<2560x1xf32> to vector<2560x64xf32>
    %mul3A_71 = arith.mulf %concatenate3A, %mul3A_70 : vector<2560x64xf32>
    %get3A_72 = arith.constant 0 : index
    %get3A_73 = arith.constant 0 : index
    %get3A_74 = vector.load %arg10[%get3A_72, %get3A_73] : memref<1x64xf32, #tpu.memory_space<vmem>>, vector<1x64xf32>
    %mul3A_75 = vector.broadcast %get3A_74 : vector<1x64xf32> to vector<2560x64xf32>
    %mul3A_76 = arith.mulf %mul3A_71, %mul3A_75 : vector<2560x64xf32>
    %mul3A_77 = arith.mulf %mul3A_76, %get3A_53 : vector<2560x64xf32>
    %slice3A_78 = vector.extract_strided_slice %mul3A_76 {offsets = [0, 32], sizes = [2560, 32], strides = [1, 1]} : vector<2560x64xf32> to vector<2560x32xf32>
    %slice3A_79 = vector.extract_strided_slice %mul3A_76 {offsets = [0, 0], sizes = [2560, 32], strides = [1, 1]} : vector<2560x64xf32> to vector<2560x32xf32>
    %concatenate3A_80 = tpu.concatenate %slice3A_78, %slice3A_79 in 1 : vector<2560x32xf32>, vector<2560x32xf32> -> vector<2560x64xf32>
    %mul3A_81 = arith.mulf %concatenate3A_80, %get3A_56 : vector<2560x64xf32>
    %add3A_82 = arith.addf %mul3A_77, %mul3A_81 : vector<2560x64xf32>
    %concatenate3A_83 = tpu.concatenate %add3A_69, %add3A_82 in 1 : vector<2560x64xf32>, vector<2560x64xf32> -> vector<2560x128xf32>
    %swap3A_84 = arith.constant 0 : index
    %swap3A_85 = arith.constant 0 : index
    %swap3A_86 = vector.load %arg14[%swap3A_84, %swap3A_85] : memref<2560x128xf32, #tpu.memory_space<vmem>>, vector<2560x128xf32>
    tpu.vector_store %arg14[%swap3A_84, %swap3A_85], %concatenate3A_83 {strides = array<i32>} : memref<2560x128xf32, #tpu.memory_space<vmem>>, vector<2560x128xf32>,
    return
  }
}

module attributes {stable_mosaic.version = 14 : i64} {
  func.func @_select_kernel(%arg0: i32, %arg1: memref<256x256xf32, #tpu.memory_space<vmem>>, %arg2: memref<512x32xf32, #tpu.memory_space<vmem>>, %arg3: memref<256x64xf32, #tpu.memory_space<vmem>>, %arg4: memref<64x128xf32, #tpu.memory_space<vmem>>, %arg5: memref<64x4xf32, #tpu.memory_space<vmem>>, %arg6: memref<256x8xi32, #tpu.memory_space<vmem>>) attributes {dimension_semantics = [#tpu.dimension_semantics<arbitrary>], iteration_bounds = array<i64: 8>, scalar_prefetch = 0 : i64, scratch_operands = 0 : i64, tpu.core_type = #tpu.core_type<tc>, window_params = [{transform_indices = @transform_0, window_bounds = array<i64: 256, 256>}, {pipeline_mode = #tpu.pipeline_mode<synchronous>, transform_indices = @transform_1, window_bounds = array<i64: 512, 32>}, {pipeline_mode = #tpu.pipeline_mode<synchronous>, transform_indices = @transform_2, window_bounds = array<i64: 256, 64>}, {pipeline_mode = #tpu.pipeline_mode<synchronous>, transform_indices = @transform_3, window_bounds = array<i64: 64, 128>}, {pipeline_mode = #tpu.pipeline_mode<synchronous>, transform_indices = @transform_4, window_bounds = array<i64: 64, 4>}, {transform_indices = @transform_5, window_bounds = array<i64: 256, 8>}]} {
    %mul3A = arith.constant 256 : i32
    %mul3A_0 = arith.muli %arg0, %mul3A : i32
    %get3A = arith.constant 0 : index
    %get3A_1 = arith.constant 0 : index
    %get3A_2 = vector.load %arg1[%get3A, %get3A_1] : memref<256x256xf32, #tpu.memory_space<vmem>>, vector<256x256xf32>
    %get3A_3 = arith.constant 0 : index
    %get3A_4 = arith.constant 0 : index
    %get3A_5 = vector.load %arg3[%get3A_3, %get3A_4] : memref<256x64xf32, #tpu.memory_space<vmem>>, vector<256x64xf32>
    %dot_general3A = arith.constant dense<0.000000e+00> : vector<256x64xf32>
    %dot_general3A_6 = tpu.matmul %get3A_2, %get3A_5, %dot_general3A {dimension_numbers = #tpu.dot_dimension_numbers<[1], [0], [0], [1], [0, 0, 1, 1], [], []>, transpose_lhs_hint = false} : vector<256x256xf32>, vector<256x64xf32>, vector<256x64xf32> -> vector<256x64xf32>
    %get3A_7 = arith.constant 0 : index
    %get3A_8 = arith.constant 0 : index
    %get3A_9 = vector.load %arg4[%get3A_7, %get3A_8] : memref<64x128xf32, #tpu.memory_space<vmem>>, vector<64x128xf32>
    %dot_general3A_10 = arith.constant dense<0.000000e+00> : vector<256x128xf32>
    %dot_general3A_11 = tpu.matmul %dot_general3A_6, %get3A_9, %dot_general3A_10 {dimension_numbers = #tpu.dot_dimension_numbers<[1], [0], [0], [1], [0, 0, 1, 1], [], []>, transpose_lhs_hint = false} : vector<256x64xf32>, vector<64x128xf32>, vector<256x128xf32> -> vector<256x128xf32>
    %get3A_12 = arith.constant 0 : index
    %get3A_13 = arith.constant 0 : index
    %get3A_14 = vector.load %arg5[%get3A_12, %get3A_13] : memref<64x4xf32, #tpu.memory_space<vmem>>, vector<64x4xf32>
    %dot_general3A_15 = arith.constant dense<0.000000e+00> : vector<256x4xf32>
    %dot_general3A_16 = tpu.matmul %dot_general3A_6, %get3A_14, %dot_general3A_15 {dimension_numbers = #tpu.dot_dimension_numbers<[1], [0], [0], [1], [0, 0, 1, 1], [], []>, transpose_lhs_hint = false} : vector<256x64xf32>, vector<64x4xf32>, vector<256x4xf32> -> vector<256x4xf32>
    %get3A_17 = arith.constant 0 : index
    %get3A_18 = arith.constant 0 : index
    %get3A_19 = vector.load %arg2[%get3A_17, %get3A_18] : memref<512x32xf32, #tpu.memory_space<vmem>>, vector<512x32xf32>
    %broadcast_in_dim3A = arith.constant 0.000000e+00 : f32
    %broadcast_in_dim3A_20 = vector.broadcast %broadcast_in_dim3A : f32 to vector<256x512xf32>
    %slice3A = vector.extract_strided_slice %dot_general3A_11 {offsets = [0, 0], sizes = [256, 32], strides = [1, 1]} : vector<256x128xf32> to vector<256x32xf32>
    %dot_general3A_21 = arith.constant dense<0.000000e+00> : vector<256x512xf32>
    %dot_general3A_22 = tpu.matmul %slice3A, %get3A_19, %dot_general3A_21 {dimension_numbers = #tpu.dot_dimension_numbers<[1], [1], [0], [0], [0, 0, 1, 0], [], []>, transpose_lhs_hint = false} : vector<256x32xf32>, vector<512x32xf32>, vector<256x512xf32> -> vector<256x512xf32>
    %slice3A_23 = vector.extract_strided_slice %dot_general3A_16 {offsets = [0, 0], sizes = [256, 1], strides = [1, 1]} : vector<256x4xf32> to vector<256x1xf32>
    %max3A = arith.constant 0.000000e+00 : f32
    %max3A_24 = vector.broadcast %max3A : f32 to vector<256x512xf32>
    %max3A_25 = arith.maximumf %dot_general3A_22, %max3A_24 : vector<256x512xf32>
    %mul3A_26 = vector.broadcast %slice3A_23 : vector<256x1xf32> to vector<256x512xf32>
    %mul3A_27 = arith.mulf %mul3A_26, %max3A_25 : vector<256x512xf32>
    %add3A = arith.addf %broadcast_in_dim3A_20, %mul3A_27 : vector<256x512xf32>
    %slice3A_28 = vector.extract_strided_slice %dot_general3A_11 {offsets = [0, 32], sizes = [256, 32], strides = [1, 1]} : vector<256x128xf32> to vector<256x32xf32>
    %dot_general3A_29 = arith.constant dense<0.000000e+00> : vector<256x512xf32>
    %dot_general3A_30 = tpu.matmul %slice3A_28, %get3A_19, %dot_general3A_29 {dimension_numbers = #tpu.dot_dimension_numbers<[1], [1], [0], [0], [0, 0, 1, 0], [], []>, transpose_lhs_hint = false} : vector<256x32xf32>, vector<512x32xf32>, vector<256x512xf32> -> vector<256x512xf32>
    %slice3A_31 = vector.extract_strided_slice %dot_general3A_16 {offsets = [0, 1], sizes = [256, 1], strides = [1, 1]} : vector<256x4xf32> to vector<256x1xf32>
    %max3A_32 = arith.constant 0.000000e+00 : f32
    %max3A_33 = vector.broadcast %max3A_32 : f32 to vector<256x512xf32>
    %max3A_34 = arith.maximumf %dot_general3A_30, %max3A_33 : vector<256x512xf32>
    %mul3A_35 = vector.broadcast %slice3A_31 : vector<256x1xf32> to vector<256x512xf32>
    %mul3A_36 = arith.mulf %mul3A_35, %max3A_34 : vector<256x512xf32>
    %add3A_37 = arith.addf %add3A, %mul3A_36 : vector<256x512xf32>
    %slice3A_38 = vector.extract_strided_slice %dot_general3A_11 {offsets = [0, 64], sizes = [256, 32], strides = [1, 1]} : vector<256x128xf32> to vector<256x32xf32>
    %dot_general3A_39 = arith.constant dense<0.000000e+00> : vector<256x512xf32>
    %dot_general3A_40 = tpu.matmul %slice3A_38, %get3A_19, %dot_general3A_39 {dimension_numbers = #tpu.dot_dimension_numbers<[1], [1], [0], [0], [0, 0, 1, 0], [], []>, transpose_lhs_hint = false} : vector<256x32xf32>, vector<512x32xf32>, vector<256x512xf32> -> vector<256x512xf32>
    %slice3A_41 = vector.extract_strided_slice %dot_general3A_16 {offsets = [0, 2], sizes = [256, 1], strides = [1, 1]} : vector<256x4xf32> to vector<256x1xf32>
    %max3A_42 = arith.constant 0.000000e+00 : f32
    %max3A_43 = vector.broadcast %max3A_42 : f32 to vector<256x512xf32>
    %max3A_44 = arith.maximumf %dot_general3A_40, %max3A_43 : vector<256x512xf32>
    %mul3A_45 = vector.broadcast %slice3A_41 : vector<256x1xf32> to vector<256x512xf32>
    %mul3A_46 = arith.mulf %mul3A_45, %max3A_44 : vector<256x512xf32>
    %add3A_47 = arith.addf %add3A_37, %mul3A_46 : vector<256x512xf32>
    %slice3A_48 = vector.extract_strided_slice %dot_general3A_11 {offsets = [0, 96], sizes = [256, 32], strides = [1, 1]} : vector<256x128xf32> to vector<256x32xf32>
    %dot_general3A_49 = arith.constant dense<0.000000e+00> : vector<256x512xf32>
    %dot_general3A_50 = tpu.matmul %slice3A_48, %get3A_19, %dot_general3A_49 {dimension_numbers = #tpu.dot_dimension_numbers<[1], [1], [0], [0], [0, 0, 1, 0], [], []>, transpose_lhs_hint = false} : vector<256x32xf32>, vector<512x32xf32>, vector<256x512xf32> -> vector<256x512xf32>
    %slice3A_51 = vector.extract_strided_slice %dot_general3A_16 {offsets = [0, 3], sizes = [256, 1], strides = [1, 1]} : vector<256x4xf32> to vector<256x1xf32>
    %max3A_52 = arith.constant 0.000000e+00 : f32
    %max3A_53 = vector.broadcast %max3A_52 : f32 to vector<256x512xf32>
    %max3A_54 = arith.maximumf %dot_general3A_50, %max3A_53 : vector<256x512xf32>
    %mul3A_55 = vector.broadcast %slice3A_51 : vector<256x1xf32> to vector<256x512xf32>
    %mul3A_56 = arith.mulf %mul3A_55, %max3A_54 : vector<256x512xf32>
    %add3A_57 = arith.addf %add3A_47, %mul3A_56 : vector<256x512xf32>
    %iota3A = tpu.iota {dimensions = array<i32: 0>} : vector<256x512xi32>
    %iota3A_58 = tpu.iota {dimensions = array<i32: 1>} : vector<256x512xi32>
    %convert_element_type3A = arith.sitofp %iota3A_58 : vector<256x512xi32> to vector<256x512xf32>
    %mul3A_59 = arith.constant 4 : i32
    %mul3A_60 = vector.broadcast %mul3A_59 : i32 to vector<256x512xi32>
    %mul3A_61 = arith.muli %mul3A_60, %iota3A_58 : vector<256x512xi32>
    %add3A_62 = vector.broadcast %mul3A_0 : i32 to vector<256x512xi32>
    %add3A_63 = arith.addi %iota3A, %add3A_62 : vector<256x512xi32>
    %le3A = arith.cmpi sle, %mul3A_61, %add3A_63 : vector<256x512xi32>
    %jit3A = arith.constant -1.000000e+30 : f32
    %broadcast_in_dim3A_64 = vector.broadcast %jit3A : f32 to vector<256x512xf32>
    %select_n3A = arith.select %le3A, %add3A_57, %broadcast_in_dim3A_64 : vector<256x512xi1>, vector<256x512xf32>
    %reduce_max3A = arith.constant dense<0xFF800000> : vector<256xf32>
    %reduce_max3A_65 = vector.multi_reduction <maximumf>, %select_n3A, %reduce_max3A [1] : vector<256x512xf32> to vector<256xf32>
    %broadcast_in_dim3A_66 = vector.shape_cast %reduce_max3A_65 : vector<256xf32> to vector<256x1xf32>
    %eq3A = vector.broadcast %broadcast_in_dim3A_66 : vector<256x1xf32> to vector<256x512xf32>
    %eq3A_67 = arith.cmpf oeq, %select_n3A, %eq3A : vector<256x512xf32>
    %jit3A_68 = arith.constant 5.120000e+02 : f32
    %broadcast_in_dim3A_69 = vector.broadcast %jit3A_68 : f32 to vector<256x512xf32>
    %select_n3A_70 = arith.select %eq3A_67, %convert_element_type3A, %broadcast_in_dim3A_69 : vector<256x512xi1>, vector<256x512xf32>
    %reduce_min3A = arith.constant dense<0x7F800000> : vector<256xf32>
    %reduce_min3A_71 = vector.multi_reduction <minimumf>, %select_n3A_70, %reduce_min3A [1] : vector<256x512xf32> to vector<256xf32>
    %broadcast_in_dim3A_72 = vector.shape_cast %reduce_min3A_71 : vector<256xf32> to vector<256x1xf32>
    %eq3A_73 = vector.broadcast %broadcast_in_dim3A_72 : vector<256x1xf32> to vector<256x512xf32>
    %eq3A_74 = arith.cmpf oeq, %convert_element_type3A, %eq3A_73 : vector<256x512xf32>
    %jit3A_75 = arith.constant -3.000000e+30 : f32
    %broadcast_in_dim3A_76 = vector.broadcast %jit3A_75 : f32 to vector<256x512xf32>
    %select_n3A_77 = arith.select %eq3A_74, %broadcast_in_dim3A_76, %select_n3A : vector<256x512xi1>, vector<256x512xf32>
    %convert_element_type3A_78 = arith.fptosi %broadcast_in_dim3A_72 : vector<256x1xf32> to vector<256x1xi32>
    %swap3A = arith.constant 0 : index
    %swap3A_79 = arith.constant 0 : index
    %swap3A_80 = vector.load %arg6[%swap3A, %swap3A_79] : memref<256x8xi32, #tpu.memory_space<vmem>>, vector<256x1xi32>
    tpu.vector_store %arg6[%swap3A, %swap3A_79], %convert_element_type3A_78 {strides = array<i32>} : memref<256x8xi32, #tpu.memory_space<vmem>>, vector<256x1xi32>,
    %reduce_max3A_81 = arith.constant dense<0xFF800000> : vector<256xf32>
    %reduce_max3A_82 = vector.multi_reduction <maximumf>, %select_n3A_77, %reduce_max3A_81 [1] : vector<256x512xf32> to vector<256xf32>
    %broadcast_in_dim3A_83 = vector.shape_cast %reduce_max3A_82 : vector<256xf32> to vector<256x1xf32>
    %eq3A_84 = vector.broadcast %broadcast_in_dim3A_83 : vector<256x1xf32> to vector<256x512xf32>
    %eq3A_85 = arith.cmpf oeq, %select_n3A_77, %eq3A_84 : vector<256x512xf32>
    %jit3A_86 = arith.constant 5.120000e+02 : f32
    %broadcast_in_dim3A_87 = vector.broadcast %jit3A_86 : f32 to vector<256x512xf32>
    %select_n3A_88 = arith.select %eq3A_85, %convert_element_type3A, %broadcast_in_dim3A_87 : vector<256x512xi1>, vector<256x512xf32>
    %reduce_min3A_89 = arith.constant dense<0x7F800000> : vector<256xf32>
    %reduce_min3A_90 = vector.multi_reduction <minimumf>, %select_n3A_88, %reduce_min3A_89 [1] : vector<256x512xf32> to vector<256xf32>
    %broadcast_in_dim3A_91 = vector.shape_cast %reduce_min3A_90 : vector<256xf32> to vector<256x1xf32>
    %eq3A_92 = vector.broadcast %broadcast_in_dim3A_91 : vector<256x1xf32> to vector<256x512xf32>
    %eq3A_93 = arith.cmpf oeq, %convert_element_type3A, %eq3A_92 : vector<256x512xf32>
    %jit3A_94 = arith.constant -3.000000e+30 : f32
    %broadcast_in_dim3A_95 = vector.broadcast %jit3A_94 : f32 to vector<256x512xf32>
    %select_n3A_96 = arith.select %eq3A_93, %broadcast_in_dim3A_95, %select_n3A_77 : vector<256x512xi1>, vector<256x512xf32>
    %convert_element_type3A_97 = arith.fptosi %broadcast_in_dim3A_91 : vector<256x1xf32> to vector<256x1xi32>
    %swap3A_98 = arith.constant 0 : index
    %swap3A_99 = arith.constant 1 : index
    %swap3A_100 = vector.load %arg6[%swap3A_98, %swap3A_99] : memref<256x8xi32, #tpu.memory_space<vmem>>, vector<256x1xi32>
    tpu.vector_store %arg6[%swap3A_98, %swap3A_99], %convert_element_type3A_97 {strides = array<i32>} : memref<256x8xi32, #tpu.memory_space<vmem>>, vector<256x1xi32>,
    %reduce_max3A_101 = arith.constant dense<0xFF800000> : vector<256xf32>
    %reduce_max3A_102 = vector.multi_reduction <maximumf>, %select_n3A_96, %reduce_max3A_101 [1] : vector<256x512xf32> to vector<256xf32>
    %broadcast_in_dim3A_103 = vector.shape_cast %reduce_max3A_102 : vector<256xf32> to vector<256x1xf32>
    %eq3A_104 = vector.broadcast %broadcast_in_dim3A_103 : vector<256x1xf32> to vector<256x512xf32>
    %eq3A_105 = arith.cmpf oeq, %select_n3A_96, %eq3A_104 : vector<256x512xf32>
    %jit3A_106 = arith.constant 5.120000e+02 : f32
    %broadcast_in_dim3A_107 = vector.broadcast %jit3A_106 : f32 to vector<256x512xf32>
    %select_n3A_108 = arith.select %eq3A_105, %convert_element_type3A, %broadcast_in_dim3A_107 : vector<256x512xi1>, vector<256x512xf32>
    %reduce_min3A_109 = arith.constant dense<0x7F800000> : vector<256xf32>
    %reduce_min3A_110 = vector.multi_reduction <minimumf>, %select_n3A_108, %reduce_min3A_109 [1] : vector<256x512xf32> to vector<256xf32>
    %broadcast_in_dim3A_111 = vector.shape_cast %reduce_min3A_110 : vector<256xf32> to vector<256x1xf32>
    %eq3A_112 = vector.broadcast %broadcast_in_dim3A_111 : vector<256x1xf32> to vector<256x512xf32>
    %eq3A_113 = arith.cmpf oeq, %convert_element_type3A, %eq3A_112 : vector<256x512xf32>
    %jit3A_114 = arith.constant -3.000000e+30 : f32
    %broadcast_in_dim3A_115 = vector.broadcast %jit3A_114 : f32 to vector<256x512xf32>
    %select_n3A_116 = arith.select %eq3A_113, %broadcast_in_dim3A_115, %select_n3A_96 : vector<256x512xi1>, vector<256x512xf32>
    %convert_element_type3A_117 = arith.fptosi %broadcast_in_dim3A_111 : vector<256x1xf32> to vector<256x1xi32>
    %swap3A_118 = arith.constant 0 : index
    %swap3A_119 = arith.constant 2 : index
    %swap3A_120 = vector.load %arg6[%swap3A_118, %swap3A_119] : memref<256x8xi32, #tpu.memory_space<vmem>>, vector<256x1xi32>
    tpu.vector_store %arg6[%swap3A_118, %swap3A_119], %convert_element_type3A_117 {strides = array<i32>} : memref<256x8xi32, #tpu.memory_space<vmem>>, vector<256x1xi32>,
    %reduce_max3A_121 = arith.constant dense<0xFF800000> : vector<256xf32>
    %reduce_max3A_122 = vector.multi_reduction <maximumf>, %select_n3A_116, %reduce_max3A_121 [1] : vector<256x512xf32> to vector<256xf32>
    %broadcast_in_dim3A_123 = vector.shape_cast %reduce_max3A_122 : vector<256xf32> to vector<256x1xf32>
    %eq3A_124 = vector.broadcast %broadcast_in_dim3A_123 : vector<256x1xf32> to vector<256x512xf32>
    %eq3A_125 = arith.cmpf oeq, %select_n3A_116, %eq3A_124 : vector<256x512xf32>
    %jit3A_126 = arith.constant 5.120000e+02 : f32
    %broadcast_in_dim3A_127 = vector.broadcast %jit3A_126 : f32 to vector<256x512xf32>
    %select_n3A_128 = arith.select %eq3A_125, %convert_element_type3A, %broadcast_in_dim3A_127 : vector<256x512xi1>, vector<256x512xf32>
    %reduce_min3A_129 = arith.constant dense<0x7F800000> : vector<256xf32>
    %reduce_min3A_130 = vector.multi_reduction <minimumf>, %select_n3A_128, %reduce_min3A_129 [1] : vector<256x512xf32> to vector<256xf32>
    %broadcast_in_dim3A_131 = vector.shape_cast %reduce_min3A_130 : vector<256xf32> to vector<256x1xf32>
    %eq3A_132 = vector.broadcast %broadcast_in_dim3A_131 : vector<256x1xf32> to vector<256x512xf32>
    %eq3A_133 = arith.cmpf oeq, %convert_element_type3A, %eq3A_132 : vector<256x512xf32>
    %jit3A_134 = arith.constant -3.000000e+30 : f32
    %broadcast_in_dim3A_135 = vector.broadcast %jit3A_134 : f32 to vector<256x512xf32>
    %select_n3A_136 = arith.select %eq3A_133, %broadcast_in_dim3A_135, %select_n3A_116 : vector<256x512xi1>, vector<256x512xf32>
    %convert_element_type3A_137 = arith.fptosi %broadcast_in_dim3A_131 : vector<256x1xf32> to vector<256x1xi32>
    %swap3A_138 = arith.constant 0 : index
    %swap3A_139 = arith.constant 3 : index
    %swap3A_140 = vector.load %arg6[%swap3A_138, %swap3A_139] : memref<256x8xi32, #tpu.memory_space<vmem>>, vector<256x1xi32>
    tpu.vector_store %arg6[%swap3A_138, %swap3A_139], %convert_element_type3A_137 {strides = array<i32>} : memref<256x8xi32, #tpu.memory_space<vmem>>, vector<256x1xi32>,
    %reduce_max3A_141 = arith.constant dense<0xFF800000> : vector<256xf32>
    %reduce_max3A_142 = vector.multi_reduction <maximumf>, %select_n3A_136, %reduce_max3A_141 [1] : vector<256x512xf32> to vector<256xf32>
    %broadcast_in_dim3A_143 = vector.shape_cast %reduce_max3A_142 : vector<256xf32> to vector<256x1xf32>
    %eq3A_144 = vector.broadcast %broadcast_in_dim3A_143 : vector<256x1xf32> to vector<256x512xf32>
    %eq3A_145 = arith.cmpf oeq, %select_n3A_136, %eq3A_144 : vector<256x512xf32>
    %jit3A_146 = arith.constant 5.120000e+02 : f32
    %broadcast_in_dim3A_147 = vector.broadcast %jit3A_146 : f32 to vector<256x512xf32>
    %select_n3A_148 = arith.select %eq3A_145, %convert_element_type3A, %broadcast_in_dim3A_147 : vector<256x512xi1>, vector<256x512xf32>
    %reduce_min3A_149 = arith.constant dense<0x7F800000> : vector<256xf32>
    %reduce_min3A_150 = vector.multi_reduction <minimumf>, %select_n3A_148, %reduce_min3A_149 [1] : vector<256x512xf32> to vector<256xf32>
    %broadcast_in_dim3A_151 = vector.shape_cast %reduce_min3A_150 : vector<256xf32> to vector<256x1xf32>
    %eq3A_152 = vector.broadcast %broadcast_in_dim3A_151 : vector<256x1xf32> to vector<256x512xf32>
    %eq3A_153 = arith.cmpf oeq, %convert_element_type3A, %eq3A_152 : vector<256x512xf32>
    %jit3A_154 = arith.constant -3.000000e+30 : f32
    %broadcast_in_dim3A_155 = vector.broadcast %jit3A_154 : f32 to vector<256x512xf32>
    %select_n3A_156 = arith.select %eq3A_153, %broadcast_in_dim3A_155, %select_n3A_136 : vector<256x512xi1>, vector<256x512xf32>
    %convert_element_type3A_157 = arith.fptosi %broadcast_in_dim3A_151 : vector<256x1xf32> to vector<256x1xi32>
    %swap3A_158 = arith.constant 0 : index
    %swap3A_159 = arith.constant 4 : index
    %swap3A_160 = vector.load %arg6[%swap3A_158, %swap3A_159] : memref<256x8xi32, #tpu.memory_space<vmem>>, vector<256x1xi32>
    tpu.vector_store %arg6[%swap3A_158, %swap3A_159], %convert_element_type3A_157 {strides = array<i32>} : memref<256x8xi32, #tpu.memory_space<vmem>>, vector<256x1xi32>,
    %reduce_max3A_161 = arith.constant dense<0xFF800000> : vector<256xf32>
    %reduce_max3A_162 = vector.multi_reduction <maximumf>, %select_n3A_156, %reduce_max3A_161 [1] : vector<256x512xf32> to vector<256xf32>
    %broadcast_in_dim3A_163 = vector.shape_cast %reduce_max3A_162 : vector<256xf32> to vector<256x1xf32>
    %eq3A_164 = vector.broadcast %broadcast_in_dim3A_163 : vector<256x1xf32> to vector<256x512xf32>
    %eq3A_165 = arith.cmpf oeq, %select_n3A_156, %eq3A_164 : vector<256x512xf32>
    %jit3A_166 = arith.constant 5.120000e+02 : f32
    %broadcast_in_dim3A_167 = vector.broadcast %jit3A_166 : f32 to vector<256x512xf32>
    %select_n3A_168 = arith.select %eq3A_165, %convert_element_type3A, %broadcast_in_dim3A_167 : vector<256x512xi1>, vector<256x512xf32>
    %reduce_min3A_169 = arith.constant dense<0x7F800000> : vector<256xf32>
    %reduce_min3A_170 = vector.multi_reduction <minimumf>, %select_n3A_168, %reduce_min3A_169 [1] : vector<256x512xf32> to vector<256xf32>
    %broadcast_in_dim3A_171 = vector.shape_cast %reduce_min3A_170 : vector<256xf32> to vector<256x1xf32>
    %eq3A_172 = vector.broadcast %broadcast_in_dim3A_171 : vector<256x1xf32> to vector<256x512xf32>
    %eq3A_173 = arith.cmpf oeq, %convert_element_type3A, %eq3A_172 : vector<256x512xf32>
    %jit3A_174 = arith.constant -3.000000e+30 : f32
    %broadcast_in_dim3A_175 = vector.broadcast %jit3A_174 : f32 to vector<256x512xf32>
    %select_n3A_176 = arith.select %eq3A_173, %broadcast_in_dim3A_175, %select_n3A_156 : vector<256x512xi1>, vector<256x512xf32>
    %convert_element_type3A_177 = arith.fptosi %broadcast_in_dim3A_171 : vector<256x1xf32> to vector<256x1xi32>
    %swap3A_178 = arith.constant 0 : index
    %swap3A_179 = arith.constant 5 : index
    %swap3A_180 = vector.load %arg6[%swap3A_178, %swap3A_179] : memref<256x8xi32, #tpu.memory_space<vmem>>, vector<256x1xi32>
    tpu.vector_store %arg6[%swap3A_178, %swap3A_179], %convert_element_type3A_177 {strides = array<i32>} : memref<256x8xi32, #tpu.memory_space<vmem>>, vector<256x1xi32>,
    %reduce_max3A_181 = arith.constant dense<0xFF800000> : vector<256xf32>
    %reduce_max3A_182 = vector.multi_reduction <maximumf>, %select_n3A_176, %reduce_max3A_181 [1] : vector<256x512xf32> to vector<256xf32>
    %broadcast_in_dim3A_183 = vector.shape_cast %reduce_max3A_182 : vector<256xf32> to vector<256x1xf32>
    %eq3A_184 = vector.broadcast %broadcast_in_dim3A_183 : vector<256x1xf32> to vector<256x512xf32>
    %eq3A_185 = arith.cmpf oeq, %select_n3A_176, %eq3A_184 : vector<256x512xf32>
    %jit3A_186 = arith.constant 5.120000e+02 : f32
    %broadcast_in_dim3A_187 = vector.broadcast %jit3A_186 : f32 to vector<256x512xf32>
    %select_n3A_188 = arith.select %eq3A_185, %convert_element_type3A, %broadcast_in_dim3A_187 : vector<256x512xi1>, vector<256x512xf32>
    %reduce_min3A_189 = arith.constant dense<0x7F800000> : vector<256xf32>
    %reduce_min3A_190 = vector.multi_reduction <minimumf>, %select_n3A_188, %reduce_min3A_189 [1] : vector<256x512xf32> to vector<256xf32>
    %broadcast_in_dim3A_191 = vector.shape_cast %reduce_min3A_190 : vector<256xf32> to vector<256x1xf32>
    %eq3A_192 = vector.broadcast %broadcast_in_dim3A_191 : vector<256x1xf32> to vector<256x512xf32>
    %eq3A_193 = arith.cmpf oeq, %convert_element_type3A, %eq3A_192 : vector<256x512xf32>
    %jit3A_194 = arith.constant -3.000000e+30 : f32
    %broadcast_in_dim3A_195 = vector.broadcast %jit3A_194 : f32 to vector<256x512xf32>
    %select_n3A_196 = arith.select %eq3A_193, %broadcast_in_dim3A_195, %select_n3A_176 : vector<256x512xi1>, vector<256x512xf32>
    %convert_element_type3A_197 = arith.fptosi %broadcast_in_dim3A_191 : vector<256x1xf32> to vector<256x1xi32>
    %swap3A_198 = arith.constant 0 : index
    %swap3A_199 = arith.constant 6 : index
    %swap3A_200 = vector.load %arg6[%swap3A_198, %swap3A_199] : memref<256x8xi32, #tpu.memory_space<vmem>>, vector<256x1xi32>
    tpu.vector_store %arg6[%swap3A_198, %swap3A_199], %convert_element_type3A_197 {strides = array<i32>} : memref<256x8xi32, #tpu.memory_space<vmem>>, vector<256x1xi32>,
    %reduce_max3A_201 = arith.constant dense<0xFF800000> : vector<256xf32>
    %reduce_max3A_202 = vector.multi_reduction <maximumf>, %select_n3A_196, %reduce_max3A_201 [1] : vector<256x512xf32> to vector<256xf32>
    %broadcast_in_dim3A_203 = vector.shape_cast %reduce_max3A_202 : vector<256xf32> to vector<256x1xf32>
    %eq3A_204 = vector.broadcast %broadcast_in_dim3A_203 : vector<256x1xf32> to vector<256x512xf32>
    %eq3A_205 = arith.cmpf oeq, %select_n3A_196, %eq3A_204 : vector<256x512xf32>
    %jit3A_206 = arith.constant 5.120000e+02 : f32
    %broadcast_in_dim3A_207 = vector.broadcast %jit3A_206 : f32 to vector<256x512xf32>
    %select_n3A_208 = arith.select %eq3A_205, %convert_element_type3A, %broadcast_in_dim3A_207 : vector<256x512xi1>, vector<256x512xf32>
    %reduce_min3A_209 = arith.constant dense<0x7F800000> : vector<256xf32>
    %reduce_min3A_210 = vector.multi_reduction <minimumf>, %select_n3A_208, %reduce_min3A_209 [1] : vector<256x512xf32> to vector<256xf32>
    %broadcast_in_dim3A_211 = vector.shape_cast %reduce_min3A_210 : vector<256xf32> to vector<256x1xf32>
    %convert_element_type3A_212 = arith.fptosi %broadcast_in_dim3A_211 : vector<256x1xf32> to vector<256x1xi32>
    %swap3A_213 = arith.constant 0 : index
    %swap3A_214 = arith.constant 7 : index
    %swap3A_215 = vector.load %arg6[%swap3A_213, %swap3A_214] : memref<256x8xi32, #tpu.memory_space<vmem>>, vector<256x1xi32>
    tpu.vector_store %arg6[%swap3A_213, %swap3A_214], %convert_element_type3A_212 {strides = array<i32>} : memref<256x8xi32, #tpu.memory_space<vmem>>, vector<256x1xi32>,
    return
  }
  func.func @transform_0(%arg0: i32) -> (i32, i32) {
    %c0_i32 = arith.constant 0 : i32
    %c0_i32_0 = arith.constant 0 : i32
    return %arg0, %c0_i32 : i32, i32
  }
  func.func @transform_1(%arg0: i32) -> (i32, i32) {
    %c0_i32 = arith.constant 0 : i32
    %c0_i32_0 = arith.constant 0 : i32
    %c0_i32_1 = arith.constant 0 : i32
    return %c0_i32, %c0_i32_0 : i32, i32
  }
  func.func @transform_2(%arg0: i32) -> (i32, i32) {
    %c0_i32 = arith.constant 0 : i32
    %c0_i32_0 = arith.constant 0 : i32
    %c0_i32_1 = arith.constant 0 : i32
    return %c0_i32, %c0_i32_0 : i32, i32
  }
  func.func @transform_3(%arg0: i32) -> (i32, i32) {
    %c0_i32 = arith.constant 0 : i32
    %c0_i32_0 = arith.constant 0 : i32
    %c0_i32_1 = arith.constant 0 : i32
    return %c0_i32, %c0_i32_0 : i32, i32
  }
  func.func @transform_4(%arg0: i32) -> (i32, i32) {
    %c0_i32 = arith.constant 0 : i32
    %c0_i32_0 = arith.constant 0 : i32
    %c0_i32_1 = arith.constant 0 : i32
    return %c0_i32, %c0_i32_0 : i32, i32
  }
  func.func @transform_5(%arg0: i32) -> (i32, i32) {
    %c0_i32 = arith.constant 0 : i32
    %c0_i32_0 = arith.constant 0 : i32
    return %arg0, %c0_i32 : i32, i32
  }
}

module attributes {stable_mosaic.version = 14 : i64} {
  func.func @_attn_kernel(%arg0: i32, %arg1: memref<256x256xf32, #tpu.memory_space<vmem>>, %arg2: memref<2560x128xf32, #tpu.memory_space<vmem>>, %arg3: memref<8x256x128xf32, #tpu.memory_space<vmem>>, %arg4: memref<256x64xf32, #tpu.memory_space<vmem>>, %arg5: memref<256x64xf32, #tpu.memory_space<vmem>>, %arg6: memref<256x256xf32, #tpu.memory_space<vmem>>, %arg7: memref<4x64xf32, #tpu.memory_space<vmem>>, %arg8: memref<128x64xf32, #tpu.memory_space<vmem>>, %arg9: memref<1x64xf32, #tpu.memory_space<vmem>>, %arg10: memref<128x64xf32, #tpu.memory_space<vmem>>, %arg11: memref<1x64xf32, #tpu.memory_space<vmem>>, %arg12: memref<128x256xf32, #tpu.memory_space<vmem>>, %arg13: memref<1x256xf32, #tpu.memory_space<vmem>>, %arg14: memref<256x256xf32, #tpu.memory_space<vmem>>) attributes {dimension_semantics = [#tpu.dimension_semantics<arbitrary>], iteration_bounds = array<i64: 8>, scalar_prefetch = 0 : i64, scratch_operands = 0 : i64, tpu.core_type = #tpu.core_type<tc>, window_params = [{transform_indices = @transform_0, window_bounds = array<i64: 256, 256>}, {pipeline_mode = #tpu.pipeline_mode<synchronous>, transform_indices = @transform_1, window_bounds = array<i64: 2560, 128>}, {transform_indices = @transform_2, window_bounds = array<i64: 8, 256, 128>}, {transform_indices = @transform_3, window_bounds = array<i64: 256, 64>}, {transform_indices = @transform_4, window_bounds = array<i64: 256, 64>}, {pipeline_mode = #tpu.pipeline_mode<synchronous>, transform_indices = @transform_5, window_bounds = array<i64: 256, 256>}, {pipeline_mode = #tpu.pipeline_mode<synchronous>, transform_indices = @transform_6, window_bounds = array<i64: 4, 64>}, {pipeline_mode = #tpu.pipeline_mode<synchronous>, transform_indices = @transform_7, window_bounds = array<i64: 128, 64>}, {pipeline_mode = #tpu.pipeline_mode<synchronous>, transform_indices = @transform_8, window_bounds = array<i64: 1, 64>}, {pipeline_mode = #tpu.pipeline_mode<synchronous>, transform_indices = @transform_9, window_bounds = array<i64: 128, 64>}, {pipeline_mode = #tpu.pipeline_mode<synchronous>, transform_indices = @transform_10, window_bounds = array<i64: 1, 64>}, {pipeline_mode = #tpu.pipeline_mode<synchronous>, transform_indices = @transform_11, window_bounds = array<i64: 128, 256>}, {pipeline_mode = #tpu.pipeline_mode<synchronous>, transform_indices = @transform_12, window_bounds = array<i64: 1, 256>}, {transform_indices = @transform_13, window_bounds = array<i64: 256, 256>}]} {
    %mul3A = arith.constant 256 : i32
    %mul3A_0 = arith.muli %arg0, %mul3A : i32
    %get3A = arith.constant 0 : index
    %get3A_1 = arith.constant 0 : index
    %get3A_2 = vector.load %arg1[%get3A, %get3A_1] : memref<256x256xf32, #tpu.memory_space<vmem>>, vector<256x256xf32>
    %get3A_3 = arith.constant 0 : index
    %get3A_4 = arith.constant 0 : index
    %get3A_5 = vector.load %arg4[%get3A_3, %get3A_4] : memref<256x64xf32, #tpu.memory_space<vmem>>, vector<256x64xf32>
    %get3A_6 = arith.constant 0 : index
    %get3A_7 = arith.constant 0 : index
    %get3A_8 = vector.load %arg5[%get3A_6, %get3A_7] : memref<256x64xf32, #tpu.memory_space<vmem>>, vector<256x64xf32>
    %add3A = arith.constant 512 : i32
    %add3A_9 = arith.addi %add3A, %mul3A_0 : i32
    %sub3A = arith.constant 16 : i32
    %sub3A_10 = arith.subi %add3A_9, %sub3A : i32
    %get3A_11 = arith.index_cast %sub3A_10 : i32 to index
    %get3A_12 = arith.constant 0 : index
    %get3A_13 = vector.load %arg2[%get3A_11, %get3A_12] : memref<2560x128xf32, #tpu.memory_space<vmem>>, vector<272x128xf32>
    %slice3A = vector.extract_strided_slice %get3A_13 {offsets = [0, 0], sizes = [272, 64], strides = [1, 1]} : vector<272x128xf32> to vector<272x64xf32>
    %slice3A_14 = vector.extract_strided_slice %get3A_13 {offsets = [0, 64], sizes = [272, 64], strides = [1, 1]} : vector<272x128xf32> to vector<272x64xf32>
    %iota3A = tpu.iota {dimensions = array<i32: 0>} : vector<256x272xi32>
    %iota3A_15 = tpu.iota {dimensions = array<i32: 1>} : vector<256x272xi32>
    %add3A_16 = arith.constant 1 : i32
    %add3A_17 = vector.broadcast %add3A_16 : i32 to vector<256x272xi32>
    %add3A_18 = arith.addi %iota3A, %add3A_17 : vector<256x272xi32>
    %ge3A = arith.cmpi sge, %iota3A_15, %add3A_18 : vector<256x272xi32>
    %add3A_19 = arith.constant 16 : i32
    %add3A_20 = vector.broadcast %add3A_19 : i32 to vector<256x272xi32>
    %add3A_21 = arith.addi %iota3A, %add3A_20 : vector<256x272xi32>
    %le3A = arith.cmpi sle, %iota3A_15, %add3A_21 : vector<256x272xi32>
    %and3A = arith.andi %ge3A, %le3A : vector<256x272xi1>
    %add3A_22 = vector.broadcast %mul3A_0 : i32 to vector<256x272xi32>
    %add3A_23 = arith.addi %iota3A_15, %add3A_22 : vector<256x272xi32>
    %ge3A_24 = arith.constant 16 : i32
    %ge3A_25 = vector.broadcast %ge3A_24 : i32 to vector<256x272xi32>
    %ge3A_26 = arith.cmpi sge, %add3A_23, %ge3A_25 : vector<256x272xi32>
    %and3A_27 = arith.andi %and3A, %ge3A_26 : vector<256x272xi1>
    %iota3A_28 = tpu.iota {dimensions = array<i32: 0>} : vector<512x8xi32>
    %iota3A_29 = tpu.iota {dimensions = array<i32: 1>} : vector<512x8xi32>
    %jit3A = arith.constant 64 : i32
    %div3A = vector.broadcast %jit3A : i32 to vector<512x8xi32>
    %div3A_30 = arith.divsi %iota3A_28, %div3A : vector<512x8xi32>
    %sign3A = arith.constant 0 : i32
    %sign3A_31 = vector.broadcast %sign3A : i32 to vector<512x8xi32>
    %sign3A_32 = arith.cmpi sgt, %iota3A_28, %sign3A_31 : vector<512x8xi32>
    %sign3A_33 = arith.extui %sign3A_32 : vector<512x8xi1> to vector<512x8xi32>
    %sign3A_34 = arith.constant 0 : i32
    %sign3A_35 = vector.broadcast %sign3A_34 : i32 to vector<512x8xi32>
    %sign3A_36 = arith.cmpi slt, %iota3A_28, %sign3A_35 : vector<512x8xi32>
    %sign3A_37 = arith.extui %sign3A_36 : vector<512x8xi1> to vector<512x8xi32>
    %sign3A_38 = arith.subi %sign3A_33, %sign3A_37 : vector<512x8xi32>
    %sign3A_39 = arith.constant 0 : i32
    %sign3A_40 = arith.cmpi sgt, %jit3A, %sign3A_39 : i32
    %sign3A_41 = arith.extui %sign3A_40 : i1 to i32
    %sign3A_42 = arith.constant 0 : i32
    %sign3A_43 = arith.cmpi slt, %jit3A, %sign3A_42 : i32
    %sign3A_44 = arith.extui %sign3A_43 : i1 to i32
    %sign3A_45 = arith.subi %sign3A_41, %sign3A_44 : i32
    %ne3A = vector.broadcast %sign3A_45 : i32 to vector<512x8xi32>
    %ne3A_46 = arith.cmpi ne, %sign3A_38, %ne3A : vector<512x8xi32>
    %rem3A = vector.broadcast %jit3A : i32 to vector<512x8xi32>
    %rem3A_47 = arith.remsi %iota3A_28, %rem3A : vector<512x8xi32>
    %ne3A_48 = arith.constant 0 : i32
    %ne3A_49 = vector.broadcast %ne3A_48 : i32 to vector<512x8xi32>
    %ne3A_50 = arith.cmpi ne, %rem3A_47, %ne3A_49 : vector<512x8xi32>
    %and3A_51 = arith.andi %ne3A_46, %ne3A_50 : vector<512x8xi1>
    %sub3A_52 = arith.constant 1 : i32
    %sub3A_53 = vector.broadcast %sub3A_52 : i32 to vector<512x8xi32>
    %sub3A_54 = arith.subi %div3A_30, %sub3A_53 : vector<512x8xi32>
    %select_n3A = arith.select %and3A_51, %sub3A_54, %div3A_30 : vector<512x8xi1>, vector<512x8xi32>
    %eq3A = arith.cmpi eq, %select_n3A, %iota3A_29 : vector<512x8xi32>
    %convert_element_type3A = arith.extui %eq3A : vector<512x8xi1> to vector<512x8xi32>
    %convert_element_type3A_55 = arith.sitofp %convert_element_type3A : vector<512x8xi32> to vector<512x8xf32>
    %get3A_56 = arith.constant 0 : index
    %get3A_57 = arith.constant 0 : index
    %get3A_58 = arith.constant 0 : index
    %get3A_59 = vector.load %arg3[%get3A_56, %get3A_57, %get3A_58] : memref<8x256x128xf32, #tpu.memory_space<vmem>>, vector<1x256x128xf32>
    %get3A_60 = vector.shape_cast %get3A_59 : vector<1x256x128xf32> to vector<256x128xf32>
    %slice3A_61 = vector.extract_strided_slice %get3A_60 {offsets = [0, 0], sizes = [256, 64], strides = [1, 1]} : vector<256x128xf32> to vector<256x64xf32>
    %get3A_62 = arith.constant 1 : index
    %get3A_63 = arith.constant 0 : index
    %get3A_64 = arith.constant 0 : index
    %get3A_65 = vector.load %arg3[%get3A_62, %get3A_63, %get3A_64] : memref<8x256x128xf32, #tpu.memory_space<vmem>>, vector<1x256x128xf32>
    %get3A_66 = vector.shape_cast %get3A_65 : vector<1x256x128xf32> to vector<256x128xf32>
    %slice3A_67 = vector.extract_strided_slice %get3A_66 {offsets = [0, 0], sizes = [256, 64], strides = [1, 1]} : vector<256x128xf32> to vector<256x64xf32>
    %get3A_68 = arith.constant 2 : index
    %get3A_69 = arith.constant 0 : index
    %get3A_70 = arith.constant 0 : index
    %get3A_71 = vector.load %arg3[%get3A_68, %get3A_69, %get3A_70] : memref<8x256x128xf32, #tpu.memory_space<vmem>>, vector<1x256x128xf32>
    %get3A_72 = vector.shape_cast %get3A_71 : vector<1x256x128xf32> to vector<256x128xf32>
    %slice3A_73 = vector.extract_strided_slice %get3A_72 {offsets = [0, 0], sizes = [256, 64], strides = [1, 1]} : vector<256x128xf32> to vector<256x64xf32>
    %get3A_74 = arith.constant 3 : index
    %get3A_75 = arith.constant 0 : index
    %get3A_76 = arith.constant 0 : index
    %get3A_77 = vector.load %arg3[%get3A_74, %get3A_75, %get3A_76] : memref<8x256x128xf32, #tpu.memory_space<vmem>>, vector<1x256x128xf32>
    %get3A_78 = vector.shape_cast %get3A_77 : vector<1x256x128xf32> to vector<256x128xf32>
    %slice3A_79 = vector.extract_strided_slice %get3A_78 {offsets = [0, 0], sizes = [256, 64], strides = [1, 1]} : vector<256x128xf32> to vector<256x64xf32>
    %get3A_80 = arith.constant 4 : index
    %get3A_81 = arith.constant 0 : index
    %get3A_82 = arith.constant 0 : index
    %get3A_83 = vector.load %arg3[%get3A_80, %get3A_81, %get3A_82] : memref<8x256x128xf32, #tpu.memory_space<vmem>>, vector<1x256x128xf32>
    %get3A_84 = vector.shape_cast %get3A_83 : vector<1x256x128xf32> to vector<256x128xf32>
    %slice3A_85 = vector.extract_strided_slice %get3A_84 {offsets = [0, 0], sizes = [256, 64], strides = [1, 1]} : vector<256x128xf32> to vector<256x64xf32>
    %get3A_86 = arith.constant 5 : index
    %get3A_87 = arith.constant 0 : index
    %get3A_88 = arith.constant 0 : index
    %get3A_89 = vector.load %arg3[%get3A_86, %get3A_87, %get3A_88] : memref<8x256x128xf32, #tpu.memory_space<vmem>>, vector<1x256x128xf32>
    %get3A_90 = vector.shape_cast %get3A_89 : vector<1x256x128xf32> to vector<256x128xf32>
    %slice3A_91 = vector.extract_strided_slice %get3A_90 {offsets = [0, 0], sizes = [256, 64], strides = [1, 1]} : vector<256x128xf32> to vector<256x64xf32>
    %get3A_92 = arith.constant 6 : index
    %get3A_93 = arith.constant 0 : index
    %get3A_94 = arith.constant 0 : index
    %get3A_95 = vector.load %arg3[%get3A_92, %get3A_93, %get3A_94] : memref<8x256x128xf32, #tpu.memory_space<vmem>>, vector<1x256x128xf32>
    %get3A_96 = vector.shape_cast %get3A_95 : vector<1x256x128xf32> to vector<256x128xf32>
    %slice3A_97 = vector.extract_strided_slice %get3A_96 {offsets = [0, 0], sizes = [256, 64], strides = [1, 1]} : vector<256x128xf32> to vector<256x64xf32>
    %get3A_98 = arith.constant 7 : index
    %get3A_99 = arith.constant 0 : index
    %get3A_100 = arith.constant 0 : index
    %get3A_101 = vector.load %arg3[%get3A_98, %get3A_99, %get3A_100] : memref<8x256x128xf32, #tpu.memory_space<vmem>>, vector<1x256x128xf32>
    %get3A_102 = vector.shape_cast %get3A_101 : vector<1x256x128xf32> to vector<256x128xf32>
    %slice3A_103 = vector.extract_strided_slice %get3A_102 {offsets = [0, 0], sizes = [256, 64], strides = [1, 1]} : vector<256x128xf32> to vector<256x64xf32>
    %get3A_104 = arith.constant 0 : index
    %get3A_105 = arith.constant 0 : index
    %get3A_106 = arith.constant 0 : index
    %get3A_107 = vector.load %arg3[%get3A_104, %get3A_105, %get3A_106] : memref<8x256x128xf32, #tpu.memory_space<vmem>>, vector<1x256x128xf32>
    %get3A_108 = vector.shape_cast %get3A_107 : vector<1x256x128xf32> to vector<256x128xf32>
    %slice3A_109 = vector.extract_strided_slice %get3A_108 {offsets = [0, 64], sizes = [256, 64], strides = [1, 1]} : vector<256x128xf32> to vector<256x64xf32>
    %get3A_110 = arith.constant 1 : index
    %get3A_111 = arith.constant 0 : index
    %get3A_112 = arith.constant 0 : index
    %get3A_113 = vector.load %arg3[%get3A_110, %get3A_111, %get3A_112] : memref<8x256x128xf32, #tpu.memory_space<vmem>>, vector<1x256x128xf32>
    %get3A_114 = vector.shape_cast %get3A_113 : vector<1x256x128xf32> to vector<256x128xf32>
    %slice3A_115 = vector.extract_strided_slice %get3A_114 {offsets = [0, 64], sizes = [256, 64], strides = [1, 1]} : vector<256x128xf32> to vector<256x64xf32>
    %get3A_116 = arith.constant 2 : index
    %get3A_117 = arith.constant 0 : index
    %get3A_118 = arith.constant 0 : index
    %get3A_119 = vector.load %arg3[%get3A_116, %get3A_117, %get3A_118] : memref<8x256x128xf32, #tpu.memory_space<vmem>>, vector<1x256x128xf32>
    %get3A_120 = vector.shape_cast %get3A_119 : vector<1x256x128xf32> to vector<256x128xf32>
    %slice3A_121 = vector.extract_strided_slice %get3A_120 {offsets = [0, 64], sizes = [256, 64], strides = [1, 1]} : vector<256x128xf32> to vector<256x64xf32>
    %get3A_122 = arith.constant 3 : index
    %get3A_123 = arith.constant 0 : index
    %get3A_124 = arith.constant 0 : index
    %get3A_125 = vector.load %arg3[%get3A_122, %get3A_123, %get3A_124] : memref<8x256x128xf32, #tpu.memory_space<vmem>>, vector<1x256x128xf32>
    %get3A_126 = vector.shape_cast %get3A_125 : vector<1x256x128xf32> to vector<256x128xf32>
    %slice3A_127 = vector.extract_strided_slice %get3A_126 {offsets = [0, 64], sizes = [256, 64], strides = [1, 1]} : vector<256x128xf32> to vector<256x64xf32>
    %get3A_128 = arith.constant 4 : index
    %get3A_129 = arith.constant 0 : index
    %get3A_130 = arith.constant 0 : index
    %get3A_131 = vector.load %arg3[%get3A_128, %get3A_129, %get3A_130] : memref<8x256x128xf32, #tpu.memory_space<vmem>>, vector<1x256x128xf32>
    %get3A_132 = vector.shape_cast %get3A_131 : vector<1x256x128xf32> to vector<256x128xf32>
    %slice3A_133 = vector.extract_strided_slice %get3A_132 {offsets = [0, 64], sizes = [256, 64], strides = [1, 1]} : vector<256x128xf32> to vector<256x64xf32>
    %get3A_134 = arith.constant 5 : index
    %get3A_135 = arith.constant 0 : index
    %get3A_136 = arith.constant 0 : index
    %get3A_137 = vector.load %arg3[%get3A_134, %get3A_135, %get3A_136] : memref<8x256x128xf32, #tpu.memory_space<vmem>>, vector<1x256x128xf32>
    %get3A_138 = vector.shape_cast %get3A_137 : vector<1x256x128xf32> to vector<256x128xf32>
    %slice3A_139 = vector.extract_strided_slice %get3A_138 {offsets = [0, 64], sizes = [256, 64], strides = [1, 1]} : vector<256x128xf32> to vector<256x64xf32>
    %get3A_140 = arith.constant 6 : index
    %get3A_141 = arith.constant 0 : index
    %get3A_142 = arith.constant 0 : index
    %get3A_143 = vector.load %arg3[%get3A_140, %get3A_141, %get3A_142] : memref<8x256x128xf32, #tpu.memory_space<vmem>>, vector<1x256x128xf32>
    %get3A_144 = vector.shape_cast %get3A_143 : vector<1x256x128xf32> to vector<256x128xf32>
    %slice3A_145 = vector.extract_strided_slice %get3A_144 {offsets = [0, 64], sizes = [256, 64], strides = [1, 1]} : vector<256x128xf32> to vector<256x64xf32>
    %get3A_146 = arith.constant 7 : index
    %get3A_147 = arith.constant 0 : index
    %get3A_148 = arith.constant 0 : index
    %get3A_149 = vector.load %arg3[%get3A_146, %get3A_147, %get3A_148] : memref<8x256x128xf32, #tpu.memory_space<vmem>>, vector<1x256x128xf32>
    %get3A_150 = vector.shape_cast %get3A_149 : vector<1x256x128xf32> to vector<256x128xf32>
    %slice3A_151 = vector.extract_strided_slice %get3A_150 {offsets = [0, 64], sizes = [256, 64], strides = [1, 1]} : vector<256x128xf32> to vector<256x64xf32>
    %get3A_152 = arith.constant 0 : index
    %get3A_153 = arith.constant 0 : index
    %get3A_154 = vector.load %arg6[%get3A_152, %get3A_153] : memref<256x256xf32, #tpu.memory_space<vmem>>, vector<256x256xf32>
    %dot_general3A = arith.constant dense<0.000000e+00> : vector<256x256xf32>
    %dot_general3A_155 = tpu.matmul %get3A_2, %get3A_154, %dot_general3A {dimension_numbers = #tpu.dot_dimension_numbers<[1], [0], [0], [1], [0, 0, 1, 1], [], []>, transpose_lhs_hint = false} : vector<256x256xf32>, vector<256x256xf32>, vector<256x256xf32> -> vector<256x256xf32>
    %slice3A_156 = vector.extract_strided_slice %dot_general3A_155 {offsets = [0, 0], sizes = [256, 64], strides = [1, 1]} : vector<256x256xf32> to vector<256x64xf32>
    %get3A_157 = arith.constant 0 : index
    %get3A_158 = arith.constant 0 : index
    %get3A_159 = vector.load %arg7[%get3A_157, %get3A_158] : memref<4x64xf32, #tpu.memory_space<vmem>>, vector<1x64xf32>
    %mul3A_160 = arith.mulf %slice3A_156, %slice3A_156 : vector<256x64xf32>
    %reduce_sum3A = arith.constant dense<0.000000e+00> : vector<256xf32>
    %reduce_sum3A_161 = vector.multi_reduction <add>, %mul3A_160, %reduce_sum3A [1] : vector<256x64xf32> to vector<256xf32>
    %broadcast_in_dim3A = vector.shape_cast %reduce_sum3A_161 : vector<256xf32> to vector<256x1xf32>
    %div3A_162 = arith.constant 6.400000e+01 : f32
    %div3A_163 = vector.broadcast %div3A_162 : f32 to vector<256x1xf32>
    %div3A_164 = arith.divf %broadcast_in_dim3A, %div3A_163 : vector<256x1xf32>
    %add3A_165 = arith.constant 9.99999997E-7 : f32
    %add3A_166 = vector.broadcast %add3A_165 : f32 to vector<256x1xf32>
    %add3A_167 = arith.addf %div3A_164, %add3A_166 : vector<256x1xf32>
    %rsqrt3A = math.rsqrt %add3A_167 : vector<256x1xf32>
    %mul3A_168 = vector.broadcast %rsqrt3A : vector<256x1xf32> to vector<256x64xf32>
    %mul3A_169 = arith.mulf %slice3A_156, %mul3A_168 : vector<256x64xf32>
    %mul3A_170 = vector.broadcast %get3A_159 : vector<1x64xf32> to vector<256x64xf32>
    %mul3A_171 = arith.mulf %mul3A_169, %mul3A_170 : vector<256x64xf32>
    %mul3A_172 = arith.mulf %mul3A_171, %get3A_5 : vector<256x64xf32>
    %slice3A_173 = vector.extract_strided_slice %mul3A_171 {offsets = [0, 32], sizes = [256, 32], strides = [1, 1]} : vector<256x64xf32> to vector<256x32xf32>
    %slice3A_174 = vector.extract_strided_slice %mul3A_171 {offsets = [0, 0], sizes = [256, 32], strides = [1, 1]} : vector<256x64xf32> to vector<256x32xf32>
    %concatenate3A = tpu.concatenate %slice3A_173, %slice3A_174 in 1 : vector<256x32xf32>, vector<256x32xf32> -> vector<256x64xf32>
    %mul3A_175 = arith.mulf %concatenate3A, %get3A_8 : vector<256x64xf32>
    %add3A_176 = arith.addf %mul3A_172, %mul3A_175 : vector<256x64xf32>
    %mul3A_177 = arith.mulf %add3A_176, %slice3A_61 : vector<256x64xf32>
    %mul3A_178 = arith.mulf %add3A_176, %slice3A_67 : vector<256x64xf32>
    %mul3A_179 = arith.mulf %add3A_176, %slice3A_73 : vector<256x64xf32>
    %mul3A_180 = arith.mulf %add3A_176, %slice3A_79 : vector<256x64xf32>
    %mul3A_181 = arith.mulf %add3A_176, %slice3A_85 : vector<256x64xf32>
    %mul3A_182 = arith.mulf %add3A_176, %slice3A_91 : vector<256x64xf32>
    %mul3A_183 = arith.mulf %add3A_176, %slice3A_97 : vector<256x64xf32>
    %mul3A_184 = arith.mulf %add3A_176, %slice3A_103 : vector<256x64xf32>
    %concatenate3A_185 = tpu.concatenate %mul3A_177, %mul3A_178, %mul3A_179, %mul3A_180, %mul3A_181, %mul3A_182, %mul3A_183, %mul3A_184 in 1 : vector<256x64xf32>, vector<256x64xf32>, vector<256x64xf32>, vector<256x64xf32>, vector<256x64xf32>, vector<256x64xf32>, vector<256x64xf32>, vector<256x64xf32> -> vector<256x512xf32>
    %dot_general3A_186 = arith.constant dense<0.000000e+00> : vector<256x8xf32>
    %dot_general3A_187 = tpu.matmul %concatenate3A_185, %convert_element_type3A_55, %dot_general3A_186 {dimension_numbers = #tpu.dot_dimension_numbers<[1], [0], [0], [1], [0, 0, 1, 1], [], []>, transpose_lhs_hint = false} : vector<256x512xf32>, vector<512x8xf32>, vector<256x8xf32> -> vector<256x8xf32>
    %mul3A_188 = arith.constant 1.250000e-01 : f32
    %mul3A_189 = vector.broadcast %mul3A_188 : f32 to vector<256x8xf32>
    %mul3A_190 = arith.mulf %dot_general3A_187, %mul3A_189 : vector<256x8xf32>
    %dot_general3A_191 = arith.constant dense<0.000000e+00> : vector<256x272xf32>
    %dot_general3A_192 = tpu.matmul %add3A_176, %slice3A, %dot_general3A_191 {dimension_numbers = #tpu.dot_dimension_numbers<[1], [1], [0], [0], [0, 0, 1, 0], [], []>, transpose_lhs_hint = false} : vector<256x64xf32>, vector<272x64xf32>, vector<256x272xf32> -> vector<256x272xf32>
    %mul3A_193 = arith.constant 1.250000e-01 : f32
    %mul3A_194 = vector.broadcast %mul3A_193 : f32 to vector<256x272xf32>
    %mul3A_195 = arith.mulf %dot_general3A_192, %mul3A_194 : vector<256x272xf32>
    %jit3A_196 = arith.constant -1.000000e+30 : f32
    %broadcast_in_dim3A_197 = vector.broadcast %jit3A_196 : f32 to vector<256x272xf32>
    %select_n3A_198 = arith.select %and3A_27, %mul3A_195, %broadcast_in_dim3A_197 : vector<256x272xi1>, vector<256x272xf32>
    %reduce_max3A = arith.constant dense<0xFF800000> : vector<256xf32>
    %reduce_max3A_199 = vector.multi_reduction <maximumf>, %mul3A_190, %reduce_max3A [1] : vector<256x8xf32> to vector<256xf32>
    %broadcast_in_dim3A_200 = vector.shape_cast %reduce_max3A_199 : vector<256xf32> to vector<256x1xf32>
    %reduce_max3A_201 = arith.constant dense<0xFF800000> : vector<256xf32>
    %reduce_max3A_202 = vector.multi_reduction <maximumf>, %select_n3A_198, %reduce_max3A_201 [1] : vector<256x272xf32> to vector<256xf32>
    %broadcast_in_dim3A_203 = vector.shape_cast %reduce_max3A_202 : vector<256xf32> to vector<256x1xf32>
    %max3A = arith.maximumf %broadcast_in_dim3A_200, %broadcast_in_dim3A_203 : vector<256x1xf32>
    %sub3A_204 = vector.broadcast %max3A : vector<256x1xf32> to vector<256x8xf32>
    %sub3A_205 = arith.subf %mul3A_190, %sub3A_204 : vector<256x8xf32>
    %exp3A = math.exp %sub3A_205 : vector<256x8xf32>
    %sub3A_206 = vector.broadcast %max3A : vector<256x1xf32> to vector<256x272xf32>
    %sub3A_207 = arith.subf %select_n3A_198, %sub3A_206 : vector<256x272xf32>
    %exp3A_208 = math.exp %sub3A_207 : vector<256x272xf32>
    %reduce_sum3A_209 = arith.constant dense<0.000000e+00> : vector<256xf32>
    %reduce_sum3A_210 = vector.multi_reduction <add>, %exp3A, %reduce_sum3A_209 [1] : vector<256x8xf32> to vector<256xf32>
    %broadcast_in_dim3A_211 = vector.shape_cast %reduce_sum3A_210 : vector<256xf32> to vector<256x1xf32>
    %reduce_sum3A_212 = arith.constant dense<0.000000e+00> : vector<256xf32>
    %reduce_sum3A_213 = vector.multi_reduction <add>, %exp3A_208, %reduce_sum3A_212 [1] : vector<256x272xf32> to vector<256xf32>
    %broadcast_in_dim3A_214 = vector.shape_cast %reduce_sum3A_213 : vector<256xf32> to vector<256x1xf32>
    %add3A_215 = arith.addf %broadcast_in_dim3A_211, %broadcast_in_dim3A_214 : vector<256x1xf32>
    %dot_general3A_216 = arith.constant dense<0.000000e+00> : vector<256x64xf32>
    %dot_general3A_217 = tpu.matmul %exp3A_208, %slice3A_14, %dot_general3A_216 {dimension_numbers = #tpu.dot_dimension_numbers<[1], [0], [0], [1], [0, 0, 1, 1], [], []>, transpose_lhs_hint = false} : vector<256x272xf32>, vector<272x64xf32>, vector<256x64xf32> -> vector<256x64xf32>
    %slice3A_218 = vector.extract_strided_slice %exp3A {offsets = [0, 0], sizes = [256, 1], strides = [1, 1]} : vector<256x8xf32> to vector<256x1xf32>
    %mul3A_219 = vector.broadcast %slice3A_218 : vector<256x1xf32> to vector<256x64xf32>
    %mul3A_220 = arith.mulf %mul3A_219, %slice3A_109 : vector<256x64xf32>
    %add3A_221 = arith.addf %dot_general3A_217, %mul3A_220 : vector<256x64xf32>
    %slice3A_222 = vector.extract_strided_slice %exp3A {offsets = [0, 1], sizes = [256, 1], strides = [1, 1]} : vector<256x8xf32> to vector<256x1xf32>
    %mul3A_223 = vector.broadcast %slice3A_222 : vector<256x1xf32> to vector<256x64xf32>
    %mul3A_224 = arith.mulf %mul3A_223, %slice3A_115 : vector<256x64xf32>
    %add3A_225 = arith.addf %add3A_221, %mul3A_224 : vector<256x64xf32>
    %slice3A_226 = vector.extract_strided_slice %exp3A {offsets = [0, 2], sizes = [256, 1], strides = [1, 1]} : vector<256x8xf32> to vector<256x1xf32>
    %mul3A_227 = vector.broadcast %slice3A_226 : vector<256x1xf32> to vector<256x64xf32>
    %mul3A_228 = arith.mulf %mul3A_227, %slice3A_121 : vector<256x64xf32>
    %add3A_229 = arith.addf %add3A_225, %mul3A_228 : vector<256x64xf32>
    %slice3A_230 = vector.extract_strided_slice %exp3A {offsets = [0, 3], sizes = [256, 1], strides = [1, 1]} : vector<256x8xf32> to vector<256x1xf32>
    %mul3A_231 = vector.broadcast %slice3A_230 : vector<256x1xf32> to vector<256x64xf32>
    %mul3A_232 = arith.mulf %mul3A_231, %slice3A_127 : vector<256x64xf32>
    %add3A_233 = arith.addf %add3A_229, %mul3A_232 : vector<256x64xf32>
    %slice3A_234 = vector.extract_strided_slice %exp3A {offsets = [0, 4], sizes = [256, 1], strides = [1, 1]} : vector<256x8xf32> to vector<256x1xf32>
    %mul3A_235 = vector.broadcast %slice3A_234 : vector<256x1xf32> to vector<256x64xf32>
    %mul3A_236 = arith.mulf %mul3A_235, %slice3A_133 : vector<256x64xf32>
    %add3A_237 = arith.addf %add3A_233, %mul3A_236 : vector<256x64xf32>
    %slice3A_238 = vector.extract_strided_slice %exp3A {offsets = [0, 5], sizes = [256, 1], strides = [1, 1]} : vector<256x8xf32> to vector<256x1xf32>
    %mul3A_239 = vector.broadcast %slice3A_238 : vector<256x1xf32> to vector<256x64xf32>
    %mul3A_240 = arith.mulf %mul3A_239, %slice3A_139 : vector<256x64xf32>
    %add3A_241 = arith.addf %add3A_237, %mul3A_240 : vector<256x64xf32>
    %slice3A_242 = vector.extract_strided_slice %exp3A {offsets = [0, 6], sizes = [256, 1], strides = [1, 1]} : vector<256x8xf32> to vector<256x1xf32>
    %mul3A_243 = vector.broadcast %slice3A_242 : vector<256x1xf32> to vector<256x64xf32>
    %mul3A_244 = arith.mulf %mul3A_243, %slice3A_145 : vector<256x64xf32>
    %add3A_245 = arith.addf %add3A_241, %mul3A_244 : vector<256x64xf32>
    %slice3A_246 = vector.extract_strided_slice %exp3A {offsets = [0, 7], sizes = [256, 1], strides = [1, 1]} : vector<256x8xf32> to vector<256x1xf32>
    %mul3A_247 = vector.broadcast %slice3A_246 : vector<256x1xf32> to vector<256x64xf32>
    %mul3A_248 = arith.mulf %mul3A_247, %slice3A_151 : vector<256x64xf32>
    %add3A_249 = arith.addf %add3A_245, %mul3A_248 : vector<256x64xf32>
    %div3A_250 = vector.broadcast %add3A_215 : vector<256x1xf32> to vector<256x64xf32>
    %div3A_251 = arith.divf %add3A_249, %div3A_250 : vector<256x64xf32>
    %mul3A_252 = arith.mulf %div3A_251, %get3A_5 : vector<256x64xf32>
    %slice3A_253 = vector.extract_strided_slice %div3A_251 {offsets = [0, 32], sizes = [256, 32], strides = [1, 1]} : vector<256x64xf32> to vector<256x32xf32>
    %slice3A_254 = vector.extract_strided_slice %div3A_251 {offsets = [0, 0], sizes = [256, 32], strides = [1, 1]} : vector<256x64xf32> to vector<256x32xf32>
    %concatenate3A_255 = tpu.concatenate %slice3A_253, %slice3A_254 in 1 : vector<256x32xf32>, vector<256x32xf32> -> vector<256x64xf32>
    %mul3A_256 = arith.mulf %concatenate3A_255, %get3A_8 : vector<256x64xf32>
    %sub3A_257 = arith.subf %mul3A_252, %mul3A_256 : vector<256x64xf32>
    %slice3A_258 = vector.extract_strided_slice %dot_general3A_155 {offsets = [0, 64], sizes = [256, 64], strides = [1, 1]} : vector<256x256xf32> to vector<256x64xf32>
    %get3A_259 = arith.constant 1 : index
    %get3A_260 = arith.constant 0 : index
    %get3A_261 = vector.load %arg7[%get3A_259, %get3A_260] : memref<4x64xf32, #tpu.memory_space<vmem>>, vector<1x64xf32>
    %mul3A_262 = arith.mulf %slice3A_258, %slice3A_258 : vector<256x64xf32>
    %reduce_sum3A_263 = arith.constant dense<0.000000e+00> : vector<256xf32>
    %reduce_sum3A_264 = vector.multi_reduction <add>, %mul3A_262, %reduce_sum3A_263 [1] : vector<256x64xf32> to vector<256xf32>
    %broadcast_in_dim3A_265 = vector.shape_cast %reduce_sum3A_264 : vector<256xf32> to vector<256x1xf32>
    %div3A_266 = arith.constant 6.400000e+01 : f32
    %div3A_267 = vector.broadcast %div3A_266 : f32 to vector<256x1xf32>
    %div3A_268 = arith.divf %broadcast_in_dim3A_265, %div3A_267 : vector<256x1xf32>
    %add3A_269 = arith.constant 9.99999997E-7 : f32
    %add3A_270 = vector.broadcast %add3A_269 : f32 to vector<256x1xf32>
    %add3A_271 = arith.addf %div3A_268, %add3A_270 : vector<256x1xf32>
    %rsqrt3A_272 = math.rsqrt %add3A_271 : vector<256x1xf32>
    %mul3A_273 = vector.broadcast %rsqrt3A_272 : vector<256x1xf32> to vector<256x64xf32>
    %mul3A_274 = arith.mulf %slice3A_258, %mul3A_273 : vector<256x64xf32>
    %mul3A_275 = vector.broadcast %get3A_261 : vector<1x64xf32> to vector<256x64xf32>
    %mul3A_276 = arith.mulf %mul3A_274, %mul3A_275 : vector<256x64xf32>
    %mul3A_277 = arith.mulf %mul3A_276, %get3A_5 : vector<256x64xf32>
    %slice3A_278 = vector.extract_strided_slice %mul3A_276 {offsets = [0, 32], sizes = [256, 32], strides = [1, 1]} : vector<256x64xf32> to vector<256x32xf32>
    %slice3A_279 = vector.extract_strided_slice %mul3A_276 {offsets = [0, 0], sizes = [256, 32], strides = [1, 1]} : vector<256x64xf32> to vector<256x32xf32>
    %concatenate3A_280 = tpu.concatenate %slice3A_278, %slice3A_279 in 1 : vector<256x32xf32>, vector<256x32xf32> -> vector<256x64xf32>
    %mul3A_281 = arith.mulf %concatenate3A_280, %get3A_8 : vector<256x64xf32>
    %add3A_282 = arith.addf %mul3A_277, %mul3A_281 : vector<256x64xf32>
    %mul3A_283 = arith.mulf %add3A_282, %slice3A_61 : vector<256x64xf32>
    %mul3A_284 = arith.mulf %add3A_282, %slice3A_67 : vector<256x64xf32>
    %mul3A_285 = arith.mulf %add3A_282, %slice3A_73 : vector<256x64xf32>
    %mul3A_286 = arith.mulf %add3A_282, %slice3A_79 : vector<256x64xf32>
    %mul3A_287 = arith.mulf %add3A_282, %slice3A_85 : vector<256x64xf32>
    %mul3A_288 = arith.mulf %add3A_282, %slice3A_91 : vector<256x64xf32>
    %mul3A_289 = arith.mulf %add3A_282, %slice3A_97 : vector<256x64xf32>
    %mul3A_290 = arith.mulf %add3A_282, %slice3A_103 : vector<256x64xf32>
    %concatenate3A_291 = tpu.concatenate %mul3A_283, %mul3A_284, %mul3A_285, %mul3A_286, %mul3A_287, %mul3A_288, %mul3A_289, %mul3A_290 in 1 : vector<256x64xf32>, vector<256x64xf32>, vector<256x64xf32>, vector<256x64xf32>, vector<256x64xf32>, vector<256x64xf32>, vector<256x64xf32>, vector<256x64xf32> -> vector<256x512xf32>
    %dot_general3A_292 = arith.constant dense<0.000000e+00> : vector<256x8xf32>
    %dot_general3A_293 = tpu.matmul %concatenate3A_291, %convert_element_type3A_55, %dot_general3A_292 {dimension_numbers = #tpu.dot_dimension_numbers<[1], [0], [0], [1], [0, 0, 1, 1], [], []>, transpose_lhs_hint = false} : vector<256x512xf32>, vector<512x8xf32>, vector<256x8xf32> -> vector<256x8xf32>
    %mul3A_294 = arith.constant 1.250000e-01 : f32
    %mul3A_295 = vector.broadcast %mul3A_294 : f32 to vector<256x8xf32>
    %mul3A_296 = arith.mulf %dot_general3A_293, %mul3A_295 : vector<256x8xf32>
    %dot_general3A_297 = arith.constant dense<0.000000e+00> : vector<256x272xf32>
    %dot_general3A_298 = tpu.matmul %add3A_282, %slice3A, %dot_general3A_297 {dimension_numbers = #tpu.dot_dimension_numbers<[1], [1], [0], [0], [0, 0, 1, 0], [], []>, transpose_lhs_hint = false} : vector<256x64xf32>, vector<272x64xf32>, vector<256x272xf32> -> vector<256x272xf32>
    %mul3A_299 = arith.constant 1.250000e-01 : f32
    %mul3A_300 = vector.broadcast %mul3A_299 : f32 to vector<256x272xf32>
    %mul3A_301 = arith.mulf %dot_general3A_298, %mul3A_300 : vector<256x272xf32>
    %jit3A_302 = arith.constant -1.000000e+30 : f32
    %broadcast_in_dim3A_303 = vector.broadcast %jit3A_302 : f32 to vector<256x272xf32>
    %select_n3A_304 = arith.select %and3A_27, %mul3A_301, %broadcast_in_dim3A_303 : vector<256x272xi1>, vector<256x272xf32>
    %reduce_max3A_305 = arith.constant dense<0xFF800000> : vector<256xf32>
    %reduce_max3A_306 = vector.multi_reduction <maximumf>, %mul3A_296, %reduce_max3A_305 [1] : vector<256x8xf32> to vector<256xf32>
    %broadcast_in_dim3A_307 = vector.shape_cast %reduce_max3A_306 : vector<256xf32> to vector<256x1xf32>
    %reduce_max3A_308 = arith.constant dense<0xFF800000> : vector<256xf32>
    %reduce_max3A_309 = vector.multi_reduction <maximumf>, %select_n3A_304, %reduce_max3A_308 [1] : vector<256x272xf32> to vector<256xf32>
    %broadcast_in_dim3A_310 = vector.shape_cast %reduce_max3A_309 : vector<256xf32> to vector<256x1xf32>
    %max3A_311 = arith.maximumf %broadcast_in_dim3A_307, %broadcast_in_dim3A_310 : vector<256x1xf32>
    %sub3A_312 = vector.broadcast %max3A_311 : vector<256x1xf32> to vector<256x8xf32>
    %sub3A_313 = arith.subf %mul3A_296, %sub3A_312 : vector<256x8xf32>
    %exp3A_314 = math.exp %sub3A_313 : vector<256x8xf32>
    %sub3A_315 = vector.broadcast %max3A_311 : vector<256x1xf32> to vector<256x272xf32>
    %sub3A_316 = arith.subf %select_n3A_304, %sub3A_315 : vector<256x272xf32>
    %exp3A_317 = math.exp %sub3A_316 : vector<256x272xf32>
    %reduce_sum3A_318 = arith.constant dense<0.000000e+00> : vector<256xf32>
    %reduce_sum3A_319 = vector.multi_reduction <add>, %exp3A_314, %reduce_sum3A_318 [1] : vector<256x8xf32> to vector<256xf32>
    %broadcast_in_dim3A_320 = vector.shape_cast %reduce_sum3A_319 : vector<256xf32> to vector<256x1xf32>
    %reduce_sum3A_321 = arith.constant dense<0.000000e+00> : vector<256xf32>
    %reduce_sum3A_322 = vector.multi_reduction <add>, %exp3A_317, %reduce_sum3A_321 [1] : vector<256x272xf32> to vector<256xf32>
    %broadcast_in_dim3A_323 = vector.shape_cast %reduce_sum3A_322 : vector<256xf32> to vector<256x1xf32>
    %add3A_324 = arith.addf %broadcast_in_dim3A_320, %broadcast_in_dim3A_323 : vector<256x1xf32>
    %dot_general3A_325 = arith.constant dense<0.000000e+00> : vector<256x64xf32>
    %dot_general3A_326 = tpu.matmul %exp3A_317, %slice3A_14, %dot_general3A_325 {dimension_numbers = #tpu.dot_dimension_numbers<[1], [0], [0], [1], [0, 0, 1, 1], [], []>, transpose_lhs_hint = false} : vector<256x272xf32>, vector<272x64xf32>, vector<256x64xf32> -> vector<256x64xf32>
    %slice3A_327 = vector.extract_strided_slice %exp3A_314 {offsets = [0, 0], sizes = [256, 1], strides = [1, 1]} : vector<256x8xf32> to vector<256x1xf32>
    %mul3A_328 = vector.broadcast %slice3A_327 : vector<256x1xf32> to vector<256x64xf32>
    %mul3A_329 = arith.mulf %mul3A_328, %slice3A_109 : vector<256x64xf32>
    %add3A_330 = arith.addf %dot_general3A_326, %mul3A_329 : vector<256x64xf32>
    %slice3A_331 = vector.extract_strided_slice %exp3A_314 {offsets = [0, 1], sizes = [256, 1], strides = [1, 1]} : vector<256x8xf32> to vector<256x1xf32>
    %mul3A_332 = vector.broadcast %slice3A_331 : vector<256x1xf32> to vector<256x64xf32>
    %mul3A_333 = arith.mulf %mul3A_332, %slice3A_115 : vector<256x64xf32>
    %add3A_334 = arith.addf %add3A_330, %mul3A_333 : vector<256x64xf32>
    %slice3A_335 = vector.extract_strided_slice %exp3A_314 {offsets = [0, 2], sizes = [256, 1], strides = [1, 1]} : vector<256x8xf32> to vector<256x1xf32>
    %mul3A_336 = vector.broadcast %slice3A_335 : vector<256x1xf32> to vector<256x64xf32>
    %mul3A_337 = arith.mulf %mul3A_336, %slice3A_121 : vector<256x64xf32>
    %add3A_338 = arith.addf %add3A_334, %mul3A_337 : vector<256x64xf32>
    %slice3A_339 = vector.extract_strided_slice %exp3A_314 {offsets = [0, 3], sizes = [256, 1], strides = [1, 1]} : vector<256x8xf32> to vector<256x1xf32>
    %mul3A_340 = vector.broadcast %slice3A_339 : vector<256x1xf32> to vector<256x64xf32>
    %mul3A_341 = arith.mulf %mul3A_340, %slice3A_127 : vector<256x64xf32>
    %add3A_342 = arith.addf %add3A_338, %mul3A_341 : vector<256x64xf32>
    %slice3A_343 = vector.extract_strided_slice %exp3A_314 {offsets = [0, 4], sizes = [256, 1], strides = [1, 1]} : vector<256x8xf32> to vector<256x1xf32>
    %mul3A_344 = vector.broadcast %slice3A_343 : vector<256x1xf32> to vector<256x64xf32>
    %mul3A_345 = arith.mulf %mul3A_344, %slice3A_133 : vector<256x64xf32>
    %add3A_346 = arith.addf %add3A_342, %mul3A_345 : vector<256x64xf32>
    %slice3A_347 = vector.extract_strided_slice %exp3A_314 {offsets = [0, 5], sizes = [256, 1], strides = [1, 1]} : vector<256x8xf32> to vector<256x1xf32>
    %mul3A_348 = vector.broadcast %slice3A_347 : vector<256x1xf32> to vector<256x64xf32>
    %mul3A_349 = arith.mulf %mul3A_348, %slice3A_139 : vector<256x64xf32>
    %add3A_350 = arith.addf %add3A_346, %mul3A_349 : vector<256x64xf32>
    %slice3A_351 = vector.extract_strided_slice %exp3A_314 {offsets = [0, 6], sizes = [256, 1], strides = [1, 1]} : vector<256x8xf32> to vector<256x1xf32>
    %mul3A_352 = vector.broadcast %slice3A_351 : vector<256x1xf32> to vector<256x64xf32>
    %mul3A_353 = arith.mulf %mul3A_352, %slice3A_145 : vector<256x64xf32>
    %add3A_354 = arith.addf %add3A_350, %mul3A_353 : vector<256x64xf32>
    %slice3A_355 = vector.extract_strided_slice %exp3A_314 {offsets = [0, 7], sizes = [256, 1], strides = [1, 1]} : vector<256x8xf32> to vector<256x1xf32>
    %mul3A_356 = vector.broadcast %slice3A_355 : vector<256x1xf32> to vector<256x64xf32>
    %mul3A_357 = arith.mulf %mul3A_356, %slice3A_151 : vector<256x64xf32>
    %add3A_358 = arith.addf %add3A_354, %mul3A_357 : vector<256x64xf32>
    %div3A_359 = vector.broadcast %add3A_324 : vector<256x1xf32> to vector<256x64xf32>
    %div3A_360 = arith.divf %add3A_358, %div3A_359 : vector<256x64xf32>
    %mul3A_361 = arith.mulf %div3A_360, %get3A_5 : vector<256x64xf32>
    %slice3A_362 = vector.extract_strided_slice %div3A_360 {offsets = [0, 32], sizes = [256, 32], strides = [1, 1]} : vector<256x64xf32> to vector<256x32xf32>
    %slice3A_363 = vector.extract_strided_slice %div3A_360 {offsets = [0, 0], sizes = [256, 32], strides = [1, 1]} : vector<256x64xf32> to vector<256x32xf32>
    %concatenate3A_364 = tpu.concatenate %slice3A_362, %slice3A_363 in 1 : vector<256x32xf32>, vector<256x32xf32> -> vector<256x64xf32>
    %mul3A_365 = arith.mulf %concatenate3A_364, %get3A_8 : vector<256x64xf32>
    %sub3A_366 = arith.subf %mul3A_361, %mul3A_365 : vector<256x64xf32>
    %slice3A_367 = vector.extract_strided_slice %dot_general3A_155 {offsets = [0, 128], sizes = [256, 64], strides = [1, 1]} : vector<256x256xf32> to vector<256x64xf32>
    %get3A_368 = arith.constant 2 : index
    %get3A_369 = arith.constant 0 : index
    %get3A_370 = vector.load %arg7[%get3A_368, %get3A_369] : memref<4x64xf32, #tpu.memory_space<vmem>>, vector<1x64xf32>
    %mul3A_371 = arith.mulf %slice3A_367, %slice3A_367 : vector<256x64xf32>
    %reduce_sum3A_372 = arith.constant dense<0.000000e+00> : vector<256xf32>
    %reduce_sum3A_373 = vector.multi_reduction <add>, %mul3A_371, %reduce_sum3A_372 [1] : vector<256x64xf32> to vector<256xf32>
    %broadcast_in_dim3A_374 = vector.shape_cast %reduce_sum3A_373 : vector<256xf32> to vector<256x1xf32>
    %div3A_375 = arith.constant 6.400000e+01 : f32
    %div3A_376 = vector.broadcast %div3A_375 : f32 to vector<256x1xf32>
    %div3A_377 = arith.divf %broadcast_in_dim3A_374, %div3A_376 : vector<256x1xf32>
    %add3A_378 = arith.constant 9.99999997E-7 : f32
    %add3A_379 = vector.broadcast %add3A_378 : f32 to vector<256x1xf32>
    %add3A_380 = arith.addf %div3A_377, %add3A_379 : vector<256x1xf32>
    %rsqrt3A_381 = math.rsqrt %add3A_380 : vector<256x1xf32>
    %mul3A_382 = vector.broadcast %rsqrt3A_381 : vector<256x1xf32> to vector<256x64xf32>
    %mul3A_383 = arith.mulf %slice3A_367, %mul3A_382 : vector<256x64xf32>
    %mul3A_384 = vector.broadcast %get3A_370 : vector<1x64xf32> to vector<256x64xf32>
    %mul3A_385 = arith.mulf %mul3A_383, %mul3A_384 : vector<256x64xf32>
    %mul3A_386 = arith.mulf %mul3A_385, %get3A_5 : vector<256x64xf32>
    %slice3A_387 = vector.extract_strided_slice %mul3A_385 {offsets = [0, 32], sizes = [256, 32], strides = [1, 1]} : vector<256x64xf32> to vector<256x32xf32>
    %slice3A_388 = vector.extract_strided_slice %mul3A_385 {offsets = [0, 0], sizes = [256, 32], strides = [1, 1]} : vector<256x64xf32> to vector<256x32xf32>
    %concatenate3A_389 = tpu.concatenate %slice3A_387, %slice3A_388 in 1 : vector<256x32xf32>, vector<256x32xf32> -> vector<256x64xf32>
    %mul3A_390 = arith.mulf %concatenate3A_389, %get3A_8 : vector<256x64xf32>
    %add3A_391 = arith.addf %mul3A_386, %mul3A_390 : vector<256x64xf32>
    %mul3A_392 = arith.mulf %add3A_391, %slice3A_61 : vector<256x64xf32>
    %mul3A_393 = arith.mulf %add3A_391, %slice3A_67 : vector<256x64xf32>
    %mul3A_394 = arith.mulf %add3A_391, %slice3A_73 : vector<256x64xf32>
    %mul3A_395 = arith.mulf %add3A_391, %slice3A_79 : vector<256x64xf32>
    %mul3A_396 = arith.mulf %add3A_391, %slice3A_85 : vector<256x64xf32>
    %mul3A_397 = arith.mulf %add3A_391, %slice3A_91 : vector<256x64xf32>
    %mul3A_398 = arith.mulf %add3A_391, %slice3A_97 : vector<256x64xf32>
    %mul3A_399 = arith.mulf %add3A_391, %slice3A_103 : vector<256x64xf32>
    %concatenate3A_400 = tpu.concatenate %mul3A_392, %mul3A_393, %mul3A_394, %mul3A_395, %mul3A_396, %mul3A_397, %mul3A_398, %mul3A_399 in 1 : vector<256x64xf32>, vector<256x64xf32>, vector<256x64xf32>, vector<256x64xf32>, vector<256x64xf32>, vector<256x64xf32>, vector<256x64xf32>, vector<256x64xf32> -> vector<256x512xf32>
    %dot_general3A_401 = arith.constant dense<0.000000e+00> : vector<256x8xf32>
    %dot_general3A_402 = tpu.matmul %concatenate3A_400, %convert_element_type3A_55, %dot_general3A_401 {dimension_numbers = #tpu.dot_dimension_numbers<[1], [0], [0], [1], [0, 0, 1, 1], [], []>, transpose_lhs_hint = false} : vector<256x512xf32>, vector<512x8xf32>, vector<256x8xf32> -> vector<256x8xf32>
    %mul3A_403 = arith.constant 1.250000e-01 : f32
    %mul3A_404 = vector.broadcast %mul3A_403 : f32 to vector<256x8xf32>
    %mul3A_405 = arith.mulf %dot_general3A_402, %mul3A_404 : vector<256x8xf32>
    %dot_general3A_406 = arith.constant dense<0.000000e+00> : vector<256x272xf32>
    %dot_general3A_407 = tpu.matmul %add3A_391, %slice3A, %dot_general3A_406 {dimension_numbers = #tpu.dot_dimension_numbers<[1], [1], [0], [0], [0, 0, 1, 0], [], []>, transpose_lhs_hint = false} : vector<256x64xf32>, vector<272x64xf32>, vector<256x272xf32> -> vector<256x272xf32>
    %mul3A_408 = arith.constant 1.250000e-01 : f32
    %mul3A_409 = vector.broadcast %mul3A_408 : f32 to vector<256x272xf32>
    %mul3A_410 = arith.mulf %dot_general3A_407, %mul3A_409 : vector<256x272xf32>
    %jit3A_411 = arith.constant -1.000000e+30 : f32
    %broadcast_in_dim3A_412 = vector.broadcast %jit3A_411 : f32 to vector<256x272xf32>
    %select_n3A_413 = arith.select %and3A_27, %mul3A_410, %broadcast_in_dim3A_412 : vector<256x272xi1>, vector<256x272xf32>
    %reduce_max3A_414 = arith.constant dense<0xFF800000> : vector<256xf32>
    %reduce_max3A_415 = vector.multi_reduction <maximumf>, %mul3A_405, %reduce_max3A_414 [1] : vector<256x8xf32> to vector<256xf32>
    %broadcast_in_dim3A_416 = vector.shape_cast %reduce_max3A_415 : vector<256xf32> to vector<256x1xf32>
    %reduce_max3A_417 = arith.constant dense<0xFF800000> : vector<256xf32>
    %reduce_max3A_418 = vector.multi_reduction <maximumf>, %select_n3A_413, %reduce_max3A_417 [1] : vector<256x272xf32> to vector<256xf32>
    %broadcast_in_dim3A_419 = vector.shape_cast %reduce_max3A_418 : vector<256xf32> to vector<256x1xf32>
    %max3A_420 = arith.maximumf %broadcast_in_dim3A_416, %broadcast_in_dim3A_419 : vector<256x1xf32>
    %sub3A_421 = vector.broadcast %max3A_420 : vector<256x1xf32> to vector<256x8xf32>
    %sub3A_422 = arith.subf %mul3A_405, %sub3A_421 : vector<256x8xf32>
    %exp3A_423 = math.exp %sub3A_422 : vector<256x8xf32>
    %sub3A_424 = vector.broadcast %max3A_420 : vector<256x1xf32> to vector<256x272xf32>
    %sub3A_425 = arith.subf %select_n3A_413, %sub3A_424 : vector<256x272xf32>
    %exp3A_426 = math.exp %sub3A_425 : vector<256x272xf32>
    %reduce_sum3A_427 = arith.constant dense<0.000000e+00> : vector<256xf32>
    %reduce_sum3A_428 = vector.multi_reduction <add>, %exp3A_423, %reduce_sum3A_427 [1] : vector<256x8xf32> to vector<256xf32>
    %broadcast_in_dim3A_429 = vector.shape_cast %reduce_sum3A_428 : vector<256xf32> to vector<256x1xf32>
    %reduce_sum3A_430 = arith.constant dense<0.000000e+00> : vector<256xf32>
    %reduce_sum3A_431 = vector.multi_reduction <add>, %exp3A_426, %reduce_sum3A_430 [1] : vector<256x272xf32> to vector<256xf32>
    %broadcast_in_dim3A_432 = vector.shape_cast %reduce_sum3A_431 : vector<256xf32> to vector<256x1xf32>
    %add3A_433 = arith.addf %broadcast_in_dim3A_429, %broadcast_in_dim3A_432 : vector<256x1xf32>
    %dot_general3A_434 = arith.constant dense<0.000000e+00> : vector<256x64xf32>
    %dot_general3A_435 = tpu.matmul %exp3A_426, %slice3A_14, %dot_general3A_434 {dimension_numbers = #tpu.dot_dimension_numbers<[1], [0], [0], [1], [0, 0, 1, 1], [], []>, transpose_lhs_hint = false} : vector<256x272xf32>, vector<272x64xf32>, vector<256x64xf32> -> vector<256x64xf32>
    %slice3A_436 = vector.extract_strided_slice %exp3A_423 {offsets = [0, 0], sizes = [256, 1], strides = [1, 1]} : vector<256x8xf32> to vector<256x1xf32>
    %mul3A_437 = vector.broadcast %slice3A_436 : vector<256x1xf32> to vector<256x64xf32>
    %mul3A_438 = arith.mulf %mul3A_437, %slice3A_109 : vector<256x64xf32>
    %add3A_439 = arith.addf %dot_general3A_435, %mul3A_438 : vector<256x64xf32>
    %slice3A_440 = vector.extract_strided_slice %exp3A_423 {offsets = [0, 1], sizes = [256, 1], strides = [1, 1]} : vector<256x8xf32> to vector<256x1xf32>
    %mul3A_441 = vector.broadcast %slice3A_440 : vector<256x1xf32> to vector<256x64xf32>
    %mul3A_442 = arith.mulf %mul3A_441, %slice3A_115 : vector<256x64xf32>
    %add3A_443 = arith.addf %add3A_439, %mul3A_442 : vector<256x64xf32>
    %slice3A_444 = vector.extract_strided_slice %exp3A_423 {offsets = [0, 2], sizes = [256, 1], strides = [1, 1]} : vector<256x8xf32> to vector<256x1xf32>
    %mul3A_445 = vector.broadcast %slice3A_444 : vector<256x1xf32> to vector<256x64xf32>
    %mul3A_446 = arith.mulf %mul3A_445, %slice3A_121 : vector<256x64xf32>
    %add3A_447 = arith.addf %add3A_443, %mul3A_446 : vector<256x64xf32>
    %slice3A_448 = vector.extract_strided_slice %exp3A_423 {offsets = [0, 3], sizes = [256, 1], strides = [1, 1]} : vector<256x8xf32> to vector<256x1xf32>
    %mul3A_449 = vector.broadcast %slice3A_448 : vector<256x1xf32> to vector<256x64xf32>
    %mul3A_450 = arith.mulf %mul3A_449, %slice3A_127 : vector<256x64xf32>
    %add3A_451 = arith.addf %add3A_447, %mul3A_450 : vector<256x64xf32>
    %slice3A_452 = vector.extract_strided_slice %exp3A_423 {offsets = [0, 4], sizes = [256, 1], strides = [1, 1]} : vector<256x8xf32> to vector<256x1xf32>
    %mul3A_453 = vector.broadcast %slice3A_452 : vector<256x1xf32> to vector<256x64xf32>
    %mul3A_454 = arith.mulf %mul3A_453, %slice3A_133 : vector<256x64xf32>
    %add3A_455 = arith.addf %add3A_451, %mul3A_454 : vector<256x64xf32>
    %slice3A_456 = vector.extract_strided_slice %exp3A_423 {offsets = [0, 5], sizes = [256, 1], strides = [1, 1]} : vector<256x8xf32> to vector<256x1xf32>
    %mul3A_457 = vector.broadcast %slice3A_456 : vector<256x1xf32> to vector<256x64xf32>
    %mul3A_458 = arith.mulf %mul3A_457, %slice3A_139 : vector<256x64xf32>
    %add3A_459 = arith.addf %add3A_455, %mul3A_458 : vector<256x64xf32>
    %slice3A_460 = vector.extract_strided_slice %exp3A_423 {offsets = [0, 6], sizes = [256, 1], strides = [1, 1]} : vector<256x8xf32> to vector<256x1xf32>
    %mul3A_461 = vector.broadcast %slice3A_460 : vector<256x1xf32> to vector<256x64xf32>
    %mul3A_462 = arith.mulf %mul3A_461, %slice3A_145 : vector<256x64xf32>
    %add3A_463 = arith.addf %add3A_459, %mul3A_462 : vector<256x64xf32>
    %slice3A_464 = vector.extract_strided_slice %exp3A_423 {offsets = [0, 7], sizes = [256, 1], strides = [1, 1]} : vector<256x8xf32> to vector<256x1xf32>
    %mul3A_465 = vector.broadcast %slice3A_464 : vector<256x1xf32> to vector<256x64xf32>
    %mul3A_466 = arith.mulf %mul3A_465, %slice3A_151 : vector<256x64xf32>
    %add3A_467 = arith.addf %add3A_463, %mul3A_466 : vector<256x64xf32>
    %div3A_468 = vector.broadcast %add3A_433 : vector<256x1xf32> to vector<256x64xf32>
    %div3A_469 = arith.divf %add3A_467, %div3A_468 : vector<256x64xf32>
    %mul3A_470 = arith.mulf %div3A_469, %get3A_5 : vector<256x64xf32>
    %slice3A_471 = vector.extract_strided_slice %div3A_469 {offsets = [0, 32], sizes = [256, 32], strides = [1, 1]} : vector<256x64xf32> to vector<256x32xf32>
    %slice3A_472 = vector.extract_strided_slice %div3A_469 {offsets = [0, 0], sizes = [256, 32], strides = [1, 1]} : vector<256x64xf32> to vector<256x32xf32>
    %concatenate3A_473 = tpu.concatenate %slice3A_471, %slice3A_472 in 1 : vector<256x32xf32>, vector<256x32xf32> -> vector<256x64xf32>
    %mul3A_474 = arith.mulf %concatenate3A_473, %get3A_8 : vector<256x64xf32>
    %sub3A_475 = arith.subf %mul3A_470, %mul3A_474 : vector<256x64xf32>
    %slice3A_476 = vector.extract_strided_slice %dot_general3A_155 {offsets = [0, 192], sizes = [256, 64], strides = [1, 1]} : vector<256x256xf32> to vector<256x64xf32>
    %get3A_477 = arith.constant 3 : index
    %get3A_478 = arith.constant 0 : index
    %get3A_479 = vector.load %arg7[%get3A_477, %get3A_478] : memref<4x64xf32, #tpu.memory_space<vmem>>, vector<1x64xf32>
    %mul3A_480 = arith.mulf %slice3A_476, %slice3A_476 : vector<256x64xf32>
    %reduce_sum3A_481 = arith.constant dense<0.000000e+00> : vector<256xf32>
    %reduce_sum3A_482 = vector.multi_reduction <add>, %mul3A_480, %reduce_sum3A_481 [1] : vector<256x64xf32> to vector<256xf32>
    %broadcast_in_dim3A_483 = vector.shape_cast %reduce_sum3A_482 : vector<256xf32> to vector<256x1xf32>
    %div3A_484 = arith.constant 6.400000e+01 : f32
    %div3A_485 = vector.broadcast %div3A_484 : f32 to vector<256x1xf32>
    %div3A_486 = arith.divf %broadcast_in_dim3A_483, %div3A_485 : vector<256x1xf32>
    %add3A_487 = arith.constant 9.99999997E-7 : f32
    %add3A_488 = vector.broadcast %add3A_487 : f32 to vector<256x1xf32>
    %add3A_489 = arith.addf %div3A_486, %add3A_488 : vector<256x1xf32>
    %rsqrt3A_490 = math.rsqrt %add3A_489 : vector<256x1xf32>
    %mul3A_491 = vector.broadcast %rsqrt3A_490 : vector<256x1xf32> to vector<256x64xf32>
    %mul3A_492 = arith.mulf %slice3A_476, %mul3A_491 : vector<256x64xf32>
    %mul3A_493 = vector.broadcast %get3A_479 : vector<1x64xf32> to vector<256x64xf32>
    %mul3A_494 = arith.mulf %mul3A_492, %mul3A_493 : vector<256x64xf32>
    %mul3A_495 = arith.mulf %mul3A_494, %get3A_5 : vector<256x64xf32>
    %slice3A_496 = vector.extract_strided_slice %mul3A_494 {offsets = [0, 32], sizes = [256, 32], strides = [1, 1]} : vector<256x64xf32> to vector<256x32xf32>
    %slice3A_497 = vector.extract_strided_slice %mul3A_494 {offsets = [0, 0], sizes = [256, 32], strides = [1, 1]} : vector<256x64xf32> to vector<256x32xf32>
    %concatenate3A_498 = tpu.concatenate %slice3A_496, %slice3A_497 in 1 : vector<256x32xf32>, vector<256x32xf32> -> vector<256x64xf32>
    %mul3A_499 = arith.mulf %concatenate3A_498, %get3A_8 : vector<256x64xf32>
    %add3A_500 = arith.addf %mul3A_495, %mul3A_499 : vector<256x64xf32>
    %mul3A_501 = arith.mulf %add3A_500, %slice3A_61 : vector<256x64xf32>
    %mul3A_502 = arith.mulf %add3A_500, %slice3A_67 : vector<256x64xf32>
    %mul3A_503 = arith.mulf %add3A_500, %slice3A_73 : vector<256x64xf32>
    %mul3A_504 = arith.mulf %add3A_500, %slice3A_79 : vector<256x64xf32>
    %mul3A_505 = arith.mulf %add3A_500, %slice3A_85 : vector<256x64xf32>
    %mul3A_506 = arith.mulf %add3A_500, %slice3A_91 : vector<256x64xf32>
    %mul3A_507 = arith.mulf %add3A_500, %slice3A_97 : vector<256x64xf32>
    %mul3A_508 = arith.mulf %add3A_500, %slice3A_103 : vector<256x64xf32>
    %concatenate3A_509 = tpu.concatenate %mul3A_501, %mul3A_502, %mul3A_503, %mul3A_504, %mul3A_505, %mul3A_506, %mul3A_507, %mul3A_508 in 1 : vector<256x64xf32>, vector<256x64xf32>, vector<256x64xf32>, vector<256x64xf32>, vector<256x64xf32>, vector<256x64xf32>, vector<256x64xf32>, vector<256x64xf32> -> vector<256x512xf32>
    %dot_general3A_510 = arith.constant dense<0.000000e+00> : vector<256x8xf32>
    %dot_general3A_511 = tpu.matmul %concatenate3A_509, %convert_element_type3A_55, %dot_general3A_510 {dimension_numbers = #tpu.dot_dimension_numbers<[1], [0], [0], [1], [0, 0, 1, 1], [], []>, transpose_lhs_hint = false} : vector<256x512xf32>, vector<512x8xf32>, vector<256x8xf32> -> vector<256x8xf32>
    %mul3A_512 = arith.constant 1.250000e-01 : f32
    %mul3A_513 = vector.broadcast %mul3A_512 : f32 to vector<256x8xf32>
    %mul3A_514 = arith.mulf %dot_general3A_511, %mul3A_513 : vector<256x8xf32>
    %dot_general3A_515 = arith.constant dense<0.000000e+00> : vector<256x272xf32>
    %dot_general3A_516 = tpu.matmul %add3A_500, %slice3A, %dot_general3A_515 {dimension_numbers = #tpu.dot_dimension_numbers<[1], [1], [0], [0], [0, 0, 1, 0], [], []>, transpose_lhs_hint = false} : vector<256x64xf32>, vector<272x64xf32>, vector<256x272xf32> -> vector<256x272xf32>
    %mul3A_517 = arith.constant 1.250000e-01 : f32
    %mul3A_518 = vector.broadcast %mul3A_517 : f32 to vector<256x272xf32>
    %mul3A_519 = arith.mulf %dot_general3A_516, %mul3A_518 : vector<256x272xf32>
    %jit3A_520 = arith.constant -1.000000e+30 : f32
    %broadcast_in_dim3A_521 = vector.broadcast %jit3A_520 : f32 to vector<256x272xf32>
    %select_n3A_522 = arith.select %and3A_27, %mul3A_519, %broadcast_in_dim3A_521 : vector<256x272xi1>, vector<256x272xf32>
    %reduce_max3A_523 = arith.constant dense<0xFF800000> : vector<256xf32>
    %reduce_max3A_524 = vector.multi_reduction <maximumf>, %mul3A_514, %reduce_max3A_523 [1] : vector<256x8xf32> to vector<256xf32>
    %broadcast_in_dim3A_525 = vector.shape_cast %reduce_max3A_524 : vector<256xf32> to vector<256x1xf32>
    %reduce_max3A_526 = arith.constant dense<0xFF800000> : vector<256xf32>
    %reduce_max3A_527 = vector.multi_reduction <maximumf>, %select_n3A_522, %reduce_max3A_526 [1] : vector<256x272xf32> to vector<256xf32>
    %broadcast_in_dim3A_528 = vector.shape_cast %reduce_max3A_527 : vector<256xf32> to vector<256x1xf32>
    %max3A_529 = arith.maximumf %broadcast_in_dim3A_525, %broadcast_in_dim3A_528 : vector<256x1xf32>
    %sub3A_530 = vector.broadcast %max3A_529 : vector<256x1xf32> to vector<256x8xf32>
    %sub3A_531 = arith.subf %mul3A_514, %sub3A_530 : vector<256x8xf32>
    %exp3A_532 = math.exp %sub3A_531 : vector<256x8xf32>
    %sub3A_533 = vector.broadcast %max3A_529 : vector<256x1xf32> to vector<256x272xf32>
    %sub3A_534 = arith.subf %select_n3A_522, %sub3A_533 : vector<256x272xf32>
    %exp3A_535 = math.exp %sub3A_534 : vector<256x272xf32>
    %reduce_sum3A_536 = arith.constant dense<0.000000e+00> : vector<256xf32>
    %reduce_sum3A_537 = vector.multi_reduction <add>, %exp3A_532, %reduce_sum3A_536 [1] : vector<256x8xf32> to vector<256xf32>
    %broadcast_in_dim3A_538 = vector.shape_cast %reduce_sum3A_537 : vector<256xf32> to vector<256x1xf32>
    %reduce_sum3A_539 = arith.constant dense<0.000000e+00> : vector<256xf32>
    %reduce_sum3A_540 = vector.multi_reduction <add>, %exp3A_535, %reduce_sum3A_539 [1] : vector<256x272xf32> to vector<256xf32>
    %broadcast_in_dim3A_541 = vector.shape_cast %reduce_sum3A_540 : vector<256xf32> to vector<256x1xf32>
    %add3A_542 = arith.addf %broadcast_in_dim3A_538, %broadcast_in_dim3A_541 : vector<256x1xf32>
    %dot_general3A_543 = arith.constant dense<0.000000e+00> : vector<256x64xf32>
    %dot_general3A_544 = tpu.matmul %exp3A_535, %slice3A_14, %dot_general3A_543 {dimension_numbers = #tpu.dot_dimension_numbers<[1], [0], [0], [1], [0, 0, 1, 1], [], []>, transpose_lhs_hint = false} : vector<256x272xf32>, vector<272x64xf32>, vector<256x64xf32> -> vector<256x64xf32>
    %slice3A_545 = vector.extract_strided_slice %exp3A_532 {offsets = [0, 0], sizes = [256, 1], strides = [1, 1]} : vector<256x8xf32> to vector<256x1xf32>
    %mul3A_546 = vector.broadcast %slice3A_545 : vector<256x1xf32> to vector<256x64xf32>
    %mul3A_547 = arith.mulf %mul3A_546, %slice3A_109 : vector<256x64xf32>
    %add3A_548 = arith.addf %dot_general3A_544, %mul3A_547 : vector<256x64xf32>
    %slice3A_549 = vector.extract_strided_slice %exp3A_532 {offsets = [0, 1], sizes = [256, 1], strides = [1, 1]} : vector<256x8xf32> to vector<256x1xf32>
    %mul3A_550 = vector.broadcast %slice3A_549 : vector<256x1xf32> to vector<256x64xf32>
    %mul3A_551 = arith.mulf %mul3A_550, %slice3A_115 : vector<256x64xf32>
    %add3A_552 = arith.addf %add3A_548, %mul3A_551 : vector<256x64xf32>
    %slice3A_553 = vector.extract_strided_slice %exp3A_532 {offsets = [0, 2], sizes = [256, 1], strides = [1, 1]} : vector<256x8xf32> to vector<256x1xf32>
    %mul3A_554 = vector.broadcast %slice3A_553 : vector<256x1xf32> to vector<256x64xf32>
    %mul3A_555 = arith.mulf %mul3A_554, %slice3A_121 : vector<256x64xf32>
    %add3A_556 = arith.addf %add3A_552, %mul3A_555 : vector<256x64xf32>
    %slice3A_557 = vector.extract_strided_slice %exp3A_532 {offsets = [0, 3], sizes = [256, 1], strides = [1, 1]} : vector<256x8xf32> to vector<256x1xf32>
    %mul3A_558 = vector.broadcast %slice3A_557 : vector<256x1xf32> to vector<256x64xf32>
    %mul3A_559 = arith.mulf %mul3A_558, %slice3A_127 : vector<256x64xf32>
    %add3A_560 = arith.addf %add3A_556, %mul3A_559 : vector<256x64xf32>
    %slice3A_561 = vector.extract_strided_slice %exp3A_532 {offsets = [0, 4], sizes = [256, 1], strides = [1, 1]} : vector<256x8xf32> to vector<256x1xf32>
    %mul3A_562 = vector.broadcast %slice3A_561 : vector<256x1xf32> to vector<256x64xf32>
    %mul3A_563 = arith.mulf %mul3A_562, %slice3A_133 : vector<256x64xf32>
    %add3A_564 = arith.addf %add3A_560, %mul3A_563 : vector<256x64xf32>
    %slice3A_565 = vector.extract_strided_slice %exp3A_532 {offsets = [0, 5], sizes = [256, 1], strides = [1, 1]} : vector<256x8xf32> to vector<256x1xf32>
    %mul3A_566 = vector.broadcast %slice3A_565 : vector<256x1xf32> to vector<256x64xf32>
    %mul3A_567 = arith.mulf %mul3A_566, %slice3A_139 : vector<256x64xf32>
    %add3A_568 = arith.addf %add3A_564, %mul3A_567 : vector<256x64xf32>
    %slice3A_569 = vector.extract_strided_slice %exp3A_532 {offsets = [0, 6], sizes = [256, 1], strides = [1, 1]} : vector<256x8xf32> to vector<256x1xf32>
    %mul3A_570 = vector.broadcast %slice3A_569 : vector<256x1xf32> to vector<256x64xf32>
    %mul3A_571 = arith.mulf %mul3A_570, %slice3A_145 : vector<256x64xf32>
    %add3A_572 = arith.addf %add3A_568, %mul3A_571 : vector<256x64xf32>
    %slice3A_573 = vector.extract_strided_slice %exp3A_532 {offsets = [0, 7], sizes = [256, 1], strides = [1, 1]} : vector<256x8xf32> to vector<256x1xf32>
    %mul3A_574 = vector.broadcast %slice3A_573 : vector<256x1xf32> to vector<256x64xf32>
    %mul3A_575 = arith.mulf %mul3A_574, %slice3A_151 : vector<256x64xf32>
    %add3A_576 = arith.addf %add3A_572, %mul3A_575 : vector<256x64xf32>
    %div3A_577 = vector.broadcast %add3A_542 : vector<256x1xf32> to vector<256x64xf32>
    %div3A_578 = arith.divf %add3A_576, %div3A_577 : vector<256x64xf32>
    %mul3A_579 = arith.mulf %div3A_578, %get3A_5 : vector<256x64xf32>
    %slice3A_580 = vector.extract_strided_slice %div3A_578 {offsets = [0, 32], sizes = [256, 32], strides = [1, 1]} : vector<256x64xf32> to vector<256x32xf32>
    %slice3A_581 = vector.extract_strided_slice %div3A_578 {offsets = [0, 0], sizes = [256, 32], strides = [1, 1]} : vector<256x64xf32> to vector<256x32xf32>
    %concatenate3A_582 = tpu.concatenate %slice3A_580, %slice3A_581 in 1 : vector<256x32xf32>, vector<256x32xf32> -> vector<256x64xf32>
    %mul3A_583 = arith.mulf %concatenate3A_582, %get3A_8 : vector<256x64xf32>
    %sub3A_584 = arith.subf %mul3A_579, %mul3A_583 : vector<256x64xf32>
    %concatenate3A_585 = tpu.concatenate %sub3A_257, %sub3A_366 in 1 : vector<256x64xf32>, vector<256x64xf32> -> vector<256x128xf32>
    %concatenate3A_586 = tpu.concatenate %sub3A_475, %sub3A_584 in 1 : vector<256x64xf32>, vector<256x64xf32> -> vector<256x128xf32>
    %get3A_587 = arith.constant 0 : index
    %get3A_588 = arith.constant 0 : index
    %get3A_589 = vector.load %arg8[%get3A_587, %get3A_588] : memref<128x64xf32, #tpu.memory_space<vmem>>, vector<128x64xf32>
    %dot_general3A_590 = arith.constant dense<0.000000e+00> : vector<256x64xf32>
    %dot_general3A_591 = tpu.matmul %concatenate3A_585, %get3A_589, %dot_general3A_590 {dimension_numbers = #tpu.dot_dimension_numbers<[1], [0], [0], [1], [0, 0, 1, 1], [], []>, transpose_lhs_hint = false} : vector<256x128xf32>, vector<128x64xf32>, vector<256x64xf32> -> vector<256x64xf32>
    %get3A_592 = arith.constant 0 : index
    %get3A_593 = arith.constant 0 : index
    %get3A_594 = vector.load %arg9[%get3A_592, %get3A_593] : memref<1x64xf32, #tpu.memory_space<vmem>>, vector<1x64xf32>
    %add3A_595 = vector.broadcast %get3A_594 : vector<1x64xf32> to vector<256x64xf32>
    %add3A_596 = arith.addf %dot_general3A_591, %add3A_595 : vector<256x64xf32>
    %get3A_597 = arith.constant 0 : index
    %get3A_598 = arith.constant 0 : index
    %get3A_599 = vector.load %arg10[%get3A_597, %get3A_598] : memref<128x64xf32, #tpu.memory_space<vmem>>, vector<128x64xf32>
    %dot_general3A_600 = arith.constant dense<0.000000e+00> : vector<256x64xf32>
    %dot_general3A_601 = tpu.matmul %concatenate3A_586, %get3A_599, %dot_general3A_600 {dimension_numbers = #tpu.dot_dimension_numbers<[1], [0], [0], [1], [0, 0, 1, 1], [], []>, transpose_lhs_hint = false} : vector<256x128xf32>, vector<128x64xf32>, vector<256x64xf32> -> vector<256x64xf32>
    %get3A_602 = arith.constant 0 : index
    %get3A_603 = arith.constant 0 : index
    %get3A_604 = vector.load %arg11[%get3A_602, %get3A_603] : memref<1x64xf32, #tpu.memory_space<vmem>>, vector<1x64xf32>
    %add3A_605 = vector.broadcast %get3A_604 : vector<1x64xf32> to vector<256x64xf32>
    %add3A_606 = arith.addf %dot_general3A_601, %add3A_605 : vector<256x64xf32>
    %concatenate3A_607 = tpu.concatenate %add3A_596, %add3A_606 in 1 : vector<256x64xf32>, vector<256x64xf32> -> vector<256x128xf32>
    %get3A_608 = arith.constant 0 : index
    %get3A_609 = arith.constant 0 : index
    %get3A_610 = vector.load %arg12[%get3A_608, %get3A_609] : memref<128x256xf32, #tpu.memory_space<vmem>>, vector<128x256xf32>
    %dot_general3A_611 = arith.constant dense<0.000000e+00> : vector<256x256xf32>
    %dot_general3A_612 = tpu.matmul %concatenate3A_607, %get3A_610, %dot_general3A_611 {dimension_numbers = #tpu.dot_dimension_numbers<[1], [0], [0], [1], [0, 0, 1, 1], [], []>, transpose_lhs_hint = false} : vector<256x128xf32>, vector<128x256xf32>, vector<256x256xf32> -> vector<256x256xf32>
    %get3A_613 = arith.constant 0 : index
    %get3A_614 = arith.constant 0 : index
    %get3A_615 = vector.load %arg13[%get3A_613, %get3A_614] : memref<1x256xf32, #tpu.memory_space<vmem>>, vector<1x256xf32>
    %add3A_616 = vector.broadcast %get3A_615 : vector<1x256xf32> to vector<256x256xf32>
    %add3A_617 = arith.addf %dot_general3A_612, %add3A_616 : vector<256x256xf32>
    %swap3A = arith.constant 0 : index
    %swap3A_618 = arith.constant 0 : index
    %swap3A_619 = vector.load %arg14[%swap3A, %swap3A_618] : memref<256x256xf32, #tpu.memory_space<vmem>>, vector<256x256xf32>
    tpu.vector_store %arg14[%swap3A, %swap3A_618], %add3A_617 {strides = array<i32>} : memref<256x256xf32, #tpu.memory_space<vmem>>, vector<256x256xf32>,
    return
  }
  func.func @transform_0(%arg0: i32) -> (i32, i32) {
    %c0_i32 = arith.constant 0 : i32
    %c0_i32_0 = arith.constant 0 : i32
    return %arg0, %c0_i32 : i32, i32
  }
  func.func @transform_1(%arg0: i32) -> (i32, i32) {
    %c0_i32 = arith.constant 0 : i32
    %c0_i32_0 = arith.constant 0 : i32
    %c0_i32_1 = arith.constant 0 : i32
    return %c0_i32, %c0_i32_0 : i32, i32
  }
  func.func @transform_2(%arg0: i32) -> (i32, i32, i32) {
    %c0_i32 = arith.constant 0 : i32
    %c0_i32_0 = arith.constant 0 : i32
    %c0_i32_1 = arith.constant 0 : i32
    return %c0_i32, %arg0, %c0_i32_0 : i32, i32, i32
  }
  func.func @transform_3(%arg0: i32) -> (i32, i32) {
    %c0_i32 = arith.constant 0 : i32
    %c0_i32_0 = arith.constant 0 : i32
    return %arg0, %c0_i32 : i32, i32
  }
  func.func @transform_4(%arg0: i32) -> (i32, i32) {
    %c0_i32 = arith.constant 0 : i32
    %c0_i32_0 = arith.constant 0 : i32
    return %arg0, %c0_i32 : i32, i32
  }
  func.func @transform_5(%arg0: i32) -> (i32, i32) {
    %c0_i32 = arith.constant 0 : i32
    %c0_i32_0 = arith.constant 0 : i32
    %c0_i32_1 = arith.constant 0 : i32
    return %c0_i32, %c0_i32_0 : i32, i32
  }
  func.func @transform_6(%arg0: i32) -> (i32, i32) {
    %c0_i32 = arith.constant 0 : i32
    %c0_i32_0 = arith.constant 0 : i32
    %c0_i32_1 = arith.constant 0 : i32
    return %c0_i32, %c0_i32_0 : i32, i32
  }
  func.func @transform_7(%arg0: i32) -> (i32, i32) {
    %c0_i32 = arith.constant 0 : i32
    %c0_i32_0 = arith.constant 0 : i32
    %c0_i32_1 = arith.constant 0 : i32
    return %c0_i32, %c0_i32_0 : i32, i32
  }
  func.func @transform_8(%arg0: i32) -> (i32, i32) {
    %c0_i32 = arith.constant 0 : i32
    %c0_i32_0 = arith.constant 0 : i32
    %c0_i32_1 = arith.constant 0 : i32
    return %c0_i32, %c0_i32_0 : i32, i32
  }
  func.func @transform_9(%arg0: i32) -> (i32, i32) {
    %c0_i32 = arith.constant 0 : i32
    %c0_i32_0 = arith.constant 0 : i32
    %c0_i32_1 = arith.constant 0 : i32
    return %c0_i32, %c0_i32_0 : i32, i32
  }
  func.func @transform_10(%arg0: i32) -> (i32, i32) {
    %c0_i32 = arith.constant 0 : i32
    %c0_i32_0 = arith.constant 0 : i32
    %c0_i32_1 = arith.constant 0 : i32
    return %c0_i32, %c0_i32_0 : i32, i32
  }
  func.func @transform_11(%arg0: i32) -> (i32, i32) {
    %c0_i32 = arith.constant 0 : i32
    %c0_i32_0 = arith.constant 0 : i32
    %c0_i32_1 = arith.constant 0 : i32
    return %c0_i32, %c0_i32_0 : i32, i32
  }
  func.func @transform_12(%arg0: i32) -> (i32, i32) {
    %c0_i32 = arith.constant 0 : i32
    %c0_i32_0 = arith.constant 0 : i32
    %c0_i32_1 = arith.constant 0 : i32
    return %c0_i32, %c0_i32_0 : i32, i32
  }
  func.func @transform_13(%arg0: i32) -> (i32, i32) {
    %c0_i32 = arith.constant 0 : i32
    %c0_i32_0 = arith.constant 0 : i32
    return %arg0, %c0_i32 : i32, i32
  }
}

</mosaic_0001>

<sc_bundles>
// kernel: kernel.6.cloned.1.call-start
scs
__scs_entry_jumppad:
0x0: {  	(pc) =	sbr.rel $0x88, $3  }
0x1: {  	(tag) =	ssettag $0x0;
	lr =	simm.s32 $0x1  }
0x2: {  	[smem:$0x3F8E] =	sst lr;
	_ =	strace $0xD0000000  }
0x3: {  	_ = 	snop  }
0x4: {  	_ = 	snop  }
0x5: {  	_ = 	snop  }
0x6: {  	_ = 	snop  }
0x7: {  	_ = 	snop  }
__scs_overlays_trampoline_lowered:
0x8: {  	[smem:$0x3F9D] =	sst s0  }
0x9: {  	[smem:$0x3F9E] =	sst s1  }
0xa: {  	[smem:$0x3F9F] =	sst s2  }
0xb: {  	[smem:$0x3FA0] =	sst s3  }
0xc: {  	[smem:$0x3FA1] =	sst s4  }
0xd: {  	[smem:$0x3FA2] =	sst s5  }
0xe: {  	[smem:$0x3FA3] =	sst s6  }
0xf: {  	[smem:$0x3FA4] =	sst s7  }
0x10: {  	[smem:$0x3FA5] =	sst s8  }
0x11: {  	[smem:$0x3FA6] =	sst s9;
	s0 =	simm.s32 @!p0 $0x0  }
0x12: {  	s1 =	sld [smem:$0x3F8C];
	s0 =	simm.s32 @p0 $0x1  }
0x13: {  	[smem:$0x3FA7] =	sst s0;
	s0 =	simm.s32 @!p1 $0x0  }
0x14: {  	s2 =	sld [smem:$0x3F8B];
	s0 =	simm.s32 @p1 $0x1  }
0x15: {  	[smem:$0x3FA8] =	sst s0;
	s0 =	simm.s32 @!p2 $0x0  }
0x16: {  	s3 =	sld [smem:$0x3FDB];
	s0 =	simm.s32 @p2 $0x1  }
0x17: {  	s4 =	simm.s32 $0x1BF5;
	[smem:$0x3FAA] =	sst s0  }
0x18: {  	s0 =	sld [smem:$0x3F8D];
	_ =	swait.ge [sflag:s4], $0x0  }
0x19: {  	s7 =	sld [smem:$0x3F8E]  }
0x1a: {  	s8 =	sadd.s32 $0xFFFFE003, lr  }
0x1b: {  	s9 =	sadd.s32 $0xFFFFFEF7, lr;
	s5 =	simm.s32 $0xFFFFFFFF;
	p2 =	slt.u32 s8, $0xFFFFF086  }
0x1c: {  	p1 =	slt.u32 s9, $0xF7A;
	s5 =	simm.s32 @!p2 $0x0  }
0x1d: {  	s5 =	simm.s32 @p1 $0x1;
	p0 =	seq.s32 s7, s2  }
0x1e: {  	s7 =	smul.u32 @!p0 $0xF7A, s2;
	p2 =	seq.s32 @!p0 s5, $0x0  }
0x1f: {  	s9 =	smul.u32 $0xF7A, s1;
	s8 =	simm.s32 @!p0 $0x1BF5;
	p2 =	por !p2, p0  }
0x20: {  	[sflag:s8] =	ssyncset.s32 @!p0 $0xFFFFF086;
	s6 =	sadd.s32 @!p0 s3, s7;
	s7 =	simm.s32 @!p0 $0x108  }
0x21: {  	s3 =	sadd.s32 s3, s9;
	s6 =	sadd.s32 @!p0 $0x88, s6;
	s7 =	simm.s32 @p2 $0x1082  }
0x22: {  	[simem:s7], [sflag:s8] =	dma.local @!p0 [hbm:s6], $0xF7A  }
0x23: {  	s9 =	sor.u32 $0xD0000000, s2;
	s6 =	simm.s32 $0x108;
	_ =	swait.ge @!p0 [sflag:s8], $0x0  }
0x24: {  	s3 =	sadd.s32 $0x88, s3;
	s6 =	simm.s32 @!p1 $0x1082;
	[sflag:s4] =	ssyncset.s32 $0xFFFFF086  }
0x25: {  	[simem:s6], [sflag:s4] =	dma.local [hbm:s3], $0xF7A  }
0x26: {  	[smem:$0x3F8E] =	sst s1;
	(tag) =	ssettag s2;
	_ =	strace s9  }
0x27: {  	s1 =	sld [smem:$0x3F9E]  }
0x28: {  	s2 =	sld [smem:$0x3F9F]  }
0x29: {  	s4 =	sld [smem:$0x3FA1]  }
0x2a: {  	p0 =	seq.s32 s5, $0x0;
	s5 =	sld [smem:$0x3FA2]  }
0x2b: {  	s6 =	sld [smem:$0x3FA3]  }
0x2c: {  	s7 =	sld [smem:$0x3FA4]  }
0x2d: {  	s3 =	simm.s32 $0x108;
	s8 =	sld [smem:$0x3FA5]  }
0x2e: {  	s3 =	simm.s32 @!p0 $0x1082;
	s9 =	sld [smem:$0x3FA6]  }
0x2f: {  	lr =	sadd.s32 s0, s3;
	s0 =	sld [smem:$0x3F9D]  }
0x30: {  	s3 =	sld [smem:$0x3FA0]  }
0x31: {  	[smem:$0x3FA9] =	sst s10  }
0x32: {  	s10 =	sld [smem:$0x3FA7];
	_ =	sdelay $0x3  }
0x33: {  	p0 =	seq.s32 s10, $0x1;
	s10 =	sld [smem:$0x3FA9];
	_ =	sdelay $0x3  }
0x34: {  	[smem:$0x3FA9] =	sst s10  }
0x35: {  	s10 =	sld [smem:$0x3FA8];
	_ =	sdelay $0x3  }
0x36: {  	p1 =	seq.s32 s10, $0x1;
	s10 =	sld [smem:$0x3FA9];
	_ =	sdelay $0x3  }
0x37: {  	[smem:$0x3FA9] =	sst s10  }
0x38: {  	s10 =	sld [smem:$0x3FAA]  }
0x39: {  	_ = 	snop;
	(pc) =	sbr.ind lr, $3  }
0x3a: {  	_ = 	snop  }
0x3b: {  	_ = 	snop  }
0x3c: {  	p2 =	seq.s32 s10, $0x1;
	s10 =	sld [smem:$0x3FA9]  }
0x3d: {  	_ =	shalt  }
0x3e: {  	_ =	shalt  }
0x3f: {  	_ =	shalt  }
0x40: {  	_ =	shalt  }
0x41: {  	_ =	shalt  }
0x42: {  	_ =	shalt  }
0x43: {  	_ =	shalt  }
0x44: {  	_ =	shalt  }
0x45: {  	_ =	shalt  }
0x46: {  	_ =	shalt  }
0x47: {  	_ =	shalt  }
0x48: {  	_ =	shalt  }
0x49: {  	_ =	shalt  }
0x4a: {  	_ =	shalt  }
0x4b: {  	_ =	shalt  }
0x4c: {  	_ =	shalt  }
0x4d: {  	_ =	shalt  }
0x4e: {  	_ =	shalt  }
0x4f: {  	_ =	shalt  }
0x50: {  	_ =	shalt  }
0x51: {  	_ =	shalt  }
0x52: {  	_ =	shalt  }
0x53: {  	_ =	shalt  }
0x54: {  	_ =	shalt  }
0x55: {  	_ =	shalt  }
0x56: {  	_ =	shalt  }
0x57: {  	_ =	shalt  }
0x58: {  	_ =	shalt  }
0x59: {  	_ =	shalt  }
0x5a: {  	_ =	shalt  }
0x5b: {  	_ =	shalt  }
0x5c: {  	_ =	shalt  }
0x5d: {  	_ =	shalt  }
0x5e: {  	_ =	shalt  }
0x5f: {  	_ =	shalt  }
0x60: {  	_ =	shalt  }
0x61: {  	_ =	shalt  }
0x62: {  	_ =	shalt  }
0x63: {  	_ =	shalt  }
0x64: {  	_ =	shalt  }
0x65: {  	_ =	shalt  }
0x66: {  	_ =	shalt  }
0x67: {  	_ =	shalt  }
0x68: {  	_ =	shalt  }
0x69: {  	_ =	shalt  }
0x6a: {  	_ =	shalt  }
0x6b: {  	_ =	shalt  }
0x6c: {  	_ =	shalt  }
0x6d: {  	_ =	shalt  }
0x6e: {  	_ =	shalt  }
0x6f: {  	_ =	shalt  }
0x70: {  	_ =	shalt  }
0x71: {  	_ =	shalt  }
0x72: {  	_ =	shalt  }
0x73: {  	_ =	shalt  }
0x74: {  	_ =	shalt  }
0x75: {  	_ =	shalt  }
0x76: {  	_ =	shalt  }
0x77: {  	_ =	shalt  }
0x78: {  	_ =	shalt  }
0x79: {  	_ =	shalt  }
0x7a: {  	_ =	shalt  }
0x7b: {  	_ =	shalt  }
0x7c: {  	_ =	shalt  }
0x7d: {  	_ =	shalt  }
0x7e: {  	_ =	shalt  }
0x7f: {  	_ =	shalt  }
0x80: {  	_ =	shalt  }
0x81: {  	_ =	shalt  }
0x82: {  	_ =	shalt  }
0x83: {  	_ =	shalt  }
0x84: {  	_ =	shalt  }
0x85: {  	_ =	shalt  }
0x86: {  	_ =	shalt  }
0x87: {  	_ =	shalt  }
.Lfunc_end0:
.L_simem_size_0:
called_computation_lowered:
.L_overlay_start_0:
0x88: {  	s2 =	sld [smem:$0x3FD9]  }
0x89: {  	s3 =	sld [smem:$0x3FFE];
	_ =	sdelay $0x1  }
0x8a: {  	s1 =	srdreg.scid  }
0x8b: {  	s0 =	sand.u32 $0x1, s1  }
0x8c: {  	s17 =	sshll.u32 s0, $0xA;
	s2 =	sadd.s32 s3, s2  }
0x8d: {  	s2 =	sadd.s32 s2, s17  }
0x8e: {  	[smem:$0x3FB5] =	sst s2  }
0x8f: {  	_ = 	snop  }
0x90: {  	s2 =	sld [smem:$0x3FD0];
	(tm) =	ssettm $0x1  }
0x91: {  	s18 =	sld [smem:$0x3FFB];
	_ =	sdelay $0x3  }
0x92: {  	_ =	strace s18  }
0x93: {  	s3 =	sld [smem:$0x3FFC];
	_ =	sdelay $0x3  }
0x94: {  	_ =	strace s3  }
0x95: {  	s3 =	sld [smem:$0x3FFD];
	_ =	sdelay $0x3  }
0x96: {  	_ =	strace s3  }
0x97: {  	_ =	strace $0x8FFFFFFF  }
0x98: {  	s19 =	sld [smem:$0x3FDB];
	_ =	sdelay $0x1  }
0x99: {  	s4 =	simm.s32 $_scs_section_size  }
0x9a: {  	s5 =	simm.s32 $_size__tile_overlayer_lowered;
	s6 =	simm.s32 $_tile_overlayer_lowered  }
0x9b: {  	s22 =	simm.s32 $0x1BFF;
	s21 =	sshll.u32 s6, $0x1;
	s3 =	sadd.s32 s4, s19  }
0x9c: {  	s7 =	simm.s32 $0x0;
	s20 =	sshll.u32 s5, $0x1;
	s5 =	sadd.s32 s21, s3  }
0x9d: {  	[timem:s7], [sflag:s22] =	dma.local [hbm:s5], s20  }
0x9e: {  	_ =	swait.ge [sflag:s22], s20  }
0x9f: {  	s4 =	ssub.s32 $0x0, s20;
	[sflag:s22] =	ssyncset.done $0x0  }
0xa0: {  	[sflag:s22] =	ssyncadd.s32 s4;
	_ =	sdelay $0x1  }
0xa1: {  	s23 =	simm.s32 $0x1B8B  }
0xa2: {  	_ =	swait.ge [sflag:s23], $0x1  }
0xa3: {  	[sflag:s23] =	ssyncset.done $0x0  }
0xa4: {  	s25 =	simm.s32 $0x1B8E;
	s24 =	sld [smem:$0x3FFE];
	[sflag:s23] =	ssyncadd.s32 $0xFFFFFFFF  }
0xa5: {  	s26 =	simm.s32 $execute0_lowered;
	[smem:$0x3FD2] =	sst s25  }
0xa6: {  	s5 =	sshll.u32 s26, $0x1;
	_ =	strace $0x80000046;
	[dreg:$0x1] =	wrdreg $0xFFFFFFFF  }
0xa7: {  	s28 =	simm.s32 $_size_execute0_lowered;
	s3 =	sadd.s32 s3, s5;
	[dreg:$0x0] =	wrdreg $0x0  }
0xa8: {  	s5 =	sshll.u32 s28, $0x1;
	[dreg:$0x2] =	wrdreg s3  }
0xa9: {  	[dreg:$0x3] =	wrdreg s5  }
0xaa: {  	[dreg:$0x4] =	wrdreg $0xC0  }
0xab: {  	_ =	task [dreg:s7], $0x5FFFF  }
0xac: {  	[dreg:$0x1] =	wrdreg $0xFFFFFFFF  }
0xad: {  	[dreg:$0x0] =	wrdreg $0x60  }
0xae: {  	[dreg:$0x2] =	wrdreg s2  }
0xaf: {  	[dreg:$0x3] =	wrdreg s24  }
0xb0: {  	[dreg:$0x4] =	wrdreg $0x9  }
0xb1: {  	_ =	task.clear_ibuf [dreg:s7], $0x5FFFF;
	_ =	strace $0x90000046  }
0xb2: {  	s29 =	simm.s32 $0x9;
	_ =	strace $0x80000048  }
0xb3: {  	_ =	swait.ge [sflag:s29], $0x1  }
0xb4: {  	[sflag:s29] =	ssyncadd.s32 $0xFFFFFFFF  }
0xb5: {  	_ =	strace $0x90000048  }
0xb6: {  	_ =	sfence  }
0xb7: {  	s30 =	sld [smem:$0x0];
	_ =	sdelay $0x2  }
0xb8: {  	s31 =	sshll.u32 s1, $0xD;
	s1 =	sshrl.u32 s1, $0x2  }
0xb9: {  	s3 =	sand.u32 $0x4000, s31;
	s1 =	sadd.s32 s1, s30  }
0xba: {  	s0 =	sor.u32 s3, s0;
	s1 =	sshll.u32 s1, $0x11  }
0xbb: {  	s0 =	sor.u32 s1, s0  }
0xbc: {  	s0 =	sadd.s32 $0x8F2B, s0  }
0xbd: {  	[sflag:s0] =	ssyncadd.remote.s32 $0x1  }
0xbe: {  	_ =	sfence.sel $0xFFFF  }
0xbf: {  	[dreg:$0x0] =	wrdreg $0xFFFFFFFF;
	(pc) =	sbr.abs _section_cstart, $3  }
0xc0: {  	[dreg:$0x1] =	wrdreg $0xFFFFFFFF  }
0xc1: {  	_ =	task.clear_ibuf [dreg:s7], $0x2FFFF;
	_ =	strace $0x9FFFFFFF  }
0xc2: {  	(tm) =	ssettm $0x7FFFFFFF  }
0xc3: {  	_ =	shalt  }
tec
execute0_lowered:
.L_overlay_start_1:
0x0: {  	(tag) =	ssettag $0x1  }
0x1: {  	s1 =	srdreg.scid  }
0x2: {  	s0 =	stileid.u32;
	s14 =	sand.u32 $0x1, s1  }
0x3: {  	s2 =	rddreg [dreg:$0x0];
	s29 =	sshll.u32 s0, $0xA;
	s3 =	sshll.u32 s14, $0x9  }
0x4: {  	s15 =	rddreg [dreg:$0x1];
	s16 =	sor.u32 s3, s29  }
0x5: {  	s1 =	rddreg [dreg:$0x2];
	s3 =	simm.s32 $0x0;
	s4 =	sshrl.u32 s16, $0x3  }
0x6: {  	[smem:$0x7FF] =	sst s3;
	s4 =	sadd.s32 s4, s15  }
0x7: {  	_ =	strace $0x80000047;
	s5 =	sadd.s32 $0x3C00, s4;
	s4 =	simm.s32 $0x2  }
0x8: {  	[tilespmem:s3], [sflag:$0x2] =	stream.linear.gather [hbm4b:s5+s3], $0x200, $0x38;
	[tilespmem:$0x10200] =	vst v63  }
0x9: {  	_ =	swait.ge [sflag:s4], $0x200  }
0xa: {  	[sflag:s4] =	ssyncset.done $0x0  }
0xb: {  	s6 =	simm.s32 $0x80;
	s7 =	simm.s32 $0x200;
	[sflag:s4] =	ssyncadd.s32 $0xFFFFFE00  }
0xc: {  	[tilespmem:s7], [sflag:$0x1] =	stream.indirect.gather [hbm4b:s2+s6], $0x80, s3, s6, $0xb8;
	[tilespmem:$0x10200] =	vst v63  }
0xd: {  	s8 =	simm.s32 $0x4200  }
0xe: {  	[tilespmem:s8], [sflag:$0x1] =	stream.indirect.gather [hbm4b:s2+s6], $0x80, s6, s6, $0xb8;
	[tilespmem:$0x10200] =	vst v63  }
0xf: {  	s9 =	simm.s32 $0x100;
	s10 =	simm.s32 $0x8200  }
0x10: {  	[tilespmem:s10], [sflag:$0x1] =	stream.indirect.gather [hbm4b:s2+s6], $0x80, s9, s6, $0xb8;
	[tilespmem:$0x10200] =	vst v63  }
0x11: {  	s11 =	simm.s32 $0x180;
	s12 =	simm.s32 $0xC200;
	s13 =	simm.s32 $0x1  }
0x12: {  	[tilespmem:s12], [sflag:$0x1] =	stream.indirect.gather [hbm4b:s2+s6], $0x80, s11, s6, $0xb8;
	[tilespmem:$0x10200] =	vst v63  }
0x13: {  	_ =	swait.ge [sflag:s13], $0x4000  }
0x14: {  	[sflag:s13] =	ssyncset.done $0x0  }
0x15: {  	[sflag:s13] =	ssyncadd.s32 $0xFFFFC000  }
0x16: {  	_ =	swait.ge [sflag:s13], $0x4000  }
0x17: {  	[sflag:s13] =	ssyncset.done $0x0  }
0x18: {  	s14 =	ssub.s32 $0x2, s14;
	[sflag:s13] =	ssyncadd.s32 $0xFFFFC000  }
0x19: {  	s17 =	sshrl.u32 s14, $0x1;
	_ =	swait.ge [sflag:s13], $0x4000  }
0x1a: {  	s30 =	ssub.s32 s14, s17;
	[sflag:s13] =	ssyncset.done $0x0  }
0x1b: {  	s31 =	smax.u32 s30, $0x1;
	[sflag:s13] =	ssyncadd.s32 $0xFFFFC000  }
0x1c: {  	s16 =	sshll.u32 s16, $0x4;
	p0 =	sne.s32 s31, $0x1;
	_ =	swait.ge [sflag:s13], $0x4000  }
.Ltmp0:
0x1d: {  	s15 =	sadd.s32 s16, s15;
	[sflag:s13] =	ssyncset.done $0x0;
	(pc) =	sbr.rel @!p0 .LBB2_2-.Ltmp0, $4  }
0x1e: {  	s14 =	sadd.s32 $0x4400, s15;
	[sflag:s13] =	ssyncadd.s32 $0xFFFFC000  }
0x1f: {  	[hbm4b:s14+s3] =	stream.linear.scatter [tilespmem:s7], [sflag:$0x2], $0x10000, $0x38;
	[tilespmem:$0x10200] =	vst v63  }
0x20: {  	_ =	swait.ge [sflag:s4], $0x10000  }
0x21: {  	s15 =	sadd.s32 $0xFFFFFFFF, s31;
	[sflag:s4] =	ssyncset.done $0x0  }
.LBB2_1:
0x22: {  	p0 =	sne.s32 s15, $0x1;
	s15 =	sadd.s32 $0xFFFFFFFF, s15;
	[sflag:s4] =	ssyncadd.s32 $0xFFFF0000  }
0x23: {  	[tilespmem:s3], [sflag:$0x2] =	stream.linear.gather [hbm4b:s5+s3], $0x200, $0x38;
	[tilespmem:$0x10200] =	vst v63  }
0x24: {  	_ =	swait.ge [sflag:s4], $0x200  }
0x25: {  	[sflag:s4] =	ssyncset.done $0x0  }
0x26: {  	[sflag:s4] =	ssyncadd.s32 $0xFFFFFE00  }
0x27: {  	[tilespmem:s7], [sflag:$0x1] =	stream.indirect.gather [hbm4b:s2+s6], $0x80, s3, s6, $0xb8;
	[tilespmem:$0x10200] =	vst v63  }
0x28: {  	_ = 	snop  }
0x29: {  	[tilespmem:s8], [sflag:$0x1] =	stream.indirect.gather [hbm4b:s2+s6], $0x80, s6, s6, $0xb8;
	[tilespmem:$0x10200] =	vst v63  }
0x2a: {  	_ = 	snop  }
0x2b: {  	[tilespmem:s10], [sflag:$0x1] =	stream.indirect.gather [hbm4b:s2+s6], $0x80, s9, s6, $0xb8;
	[tilespmem:$0x10200] =	vst v63  }
0x2c: {  	_ = 	snop  }
0x2d: {  	[tilespmem:s12], [sflag:$0x1] =	stream.indirect.gather [hbm4b:s2+s6], $0x80, s11, s6, $0xb8;
	[tilespmem:$0x10200] =	vst v63  }
0x2e: {  	_ =	swait.ge [sflag:s13], $0x4000  }
0x2f: {  	[sflag:s13] =	ssyncset.done $0x0  }
0x30: {  	[sflag:s13] =	ssyncadd.s32 $0xFFFFC000  }
0x31: {  	_ =	swait.ge [sflag:s13], $0x4000  }
0x32: {  	[sflag:s13] =	ssyncset.done $0x0  }
0x33: {  	[sflag:s13] =	ssyncadd.s32 $0xFFFFC000  }
0x34: {  	_ =	swait.ge [sflag:s13], $0x4000  }
0x35: {  	[sflag:s13] =	ssyncset.done $0x0  }
0x36: {  	[sflag:s13] =	ssyncadd.s32 $0xFFFFC000  }
0x37: {  	_ =	swait.ge [sflag:s13], $0x4000  }
.Ltmp1:
0x38: {  	[sflag:s13] =	ssyncset.done $0x0;
	(pc) =	sbr.rel @p0 .LBB2_1-.Ltmp1, $4  }
0x39: {  	[sflag:s13] =	ssyncadd.s32 $0xFFFFC000  }
0x3a: {  	[hbm4b:s14+s3] =	stream.linear.scatter [tilespmem:s7], [sflag:$0x2], $0x10000, $0x38;
	[tilespmem:$0x10200] =	vst v63  }
0x3b: {  	_ =	swait.ge [sflag:s4], $0x10000  }
0x3c: {  	[sflag:s4] =	ssyncset.done $0x0  }
.LBB2_2:
0x3d: {  	[sflag:s4] =	ssyncadd.s32 $0xFFFF0000  }
0x3e: {  	_ =	sfence.sel $0x180000  }
0x3f: {  	[bflag:$0x0] =	sbarrier.arrive $0xFFFF  }
0x40: {  	p0 =	sne.s32 s0, $0x0;
	_ =	strace $0x90000047  }
0x41: {  	s0 =	sadd.s32 @!p0 $0x100000, s1;
	[bflag:$0x2] =	sbarrier.arrive $0xFFFF  }
0x42: {  	[sflag:s0] =	ssyncadd.tile.s32 @!p0 $0x1;
	_ =	shalt  }
.Lfunc_end2:
_tile_overlayer_lowered:
.L_overlay_start_2:
0x43: {  	(tag) =	ssettag $0x2  }
0x44: {  	s0 =	rddreg [dreg:$0x0];
	s2 =	stileid.u32  }
0x45: {  	s1 =	rddreg [dreg:$0x1];
	p0 =	sne.s32 s2, $0x0  }
0x46: {  	s3 =	rddreg [dreg:$0x2];
	[bflag:$0x3] =	sbarrier.arrive $0xFFFF;
	s2 =	simm.s32 @!p0 $0x1C02  }
0x47: {  	[timem:s3], [sflag:s2] =	dma.local @!p0 [hbm:s0], s1  }
0x48: {  	s0 =	simm.s32 @!p0 $0x2  }
0x49: {  	_ =	swait.ge @!p0 [sflag:s0], s1  }
0x4a: {  	s1 =	ssub.s32 @!p0 $0x0, s1;
	[sflag:s0] =	ssyncset.done @!p0 $0x0  }
0x4b: {  	[sflag:s0] =	ssyncadd.s32 @!p0 s1  }
0x4c: {  	[bflag:$0x3] =	sbarrier.arrive $0xFFFF  }
0x4d: {  	_ =	shalt  }

</sc_bundles>
